<compile_context>
chip_gen: v7x
topology: tpu7x:2x2x1
jax: 0.10.2.dev20260603
libtpu: 0.0.44.dev20260713+nightly
codegen_flags: <defaults>
</compile_context>

<pallas_src>
import functools

import jax
import jax.numpy as jnp
from jax import lax
from jax.experimental import pallas as pl
from jax.experimental.pallas import tpu as pltpu
from jax.experimental.pallas import tpu_sc as plsc

N = 100000
E = 1600000
S = 8
HID = 32

NC = 2
NS = 16
NW = NC * NS
PER_W = E // NW
CG = 1000
CS = 1000
NPS = N // NS

def _mesh():
    return plsc.VectorSubcoreMesh(core_axis_name="c", subcore_axis_name="s",
                                  num_cores=NC, num_subcores=NS)


@functools.cache
def _make_sc_gather():
    @functools.partial(
        pl.kernel,
        mesh=_mesh(),
        out_type=[
            jax.ShapeDtypeStruct((E, 4), jnp.float32),
            jax.ShapeDtypeStruct((E, 20), jnp.float32),
        ],
        scratch_types=[
            pltpu.VMEM((CG,), jnp.int32),
            pltpu.VMEM((CG,), jnp.int32),
            pltpu.VMEM((CG, 4), jnp.float32),
            pltpu.VMEM((CG, 20), jnp.float32),
            pltpu.SemaphoreType.DMA,
            pltpu.SemaphoreType.DMA,
        ],
        compiler_params=pltpu.CompilerParams(use_tc_tiling_on_sc=False),
    )
    def _sc_gather(src_hbm, dst_hbm, ii_hbm, jj_hbm, out_i, out_j,
                   ii_v, jj_v, ri_v, rj_v, s1, s2):
        wid = lax.axis_index("s") * NC + lax.axis_index("c")
        base = wid * PER_W

        def body(t, carry):
            off = base + t * CG
            pltpu.sync_copy(ii_hbm.at[pl.ds(off, CG)], ii_v)
            pltpu.sync_copy(jj_hbm.at[pl.ds(off, CG)], jj_v)
            ca = pltpu.async_copy(src_hbm.at[ii_v], ri_v, s1)
            cb = pltpu.async_copy(dst_hbm.at[jj_v], rj_v, s2)
            ca.wait()
            cb.wait()
            pltpu.sync_copy(ri_v, out_i.at[pl.ds(off, CG)])
            pltpu.sync_copy(rj_v, out_j.at[pl.ds(off, CG)])
            return carry

        lax.fori_loop(0, PER_W // CG, body, 0)

    return _sc_gather


@functools.cache
def _make_sc_scatter():
    @functools.partial(
        pl.kernel,
        mesh=_mesh(),
        out_type=jax.ShapeDtypeStruct((2 * N, 16), jnp.float32),
        scratch_types=[
            pltpu.VMEM((CS,), jnp.int32),
            pltpu.VMEM((CS, 16), jnp.float32),
            pltpu.VMEM_SHARED((N, 16), jnp.float32),
            pltpu.SemaphoreType.DMA,
        ],
        compiler_params=pltpu.CompilerParams(use_tc_tiling_on_sc=False),
    )
    def _sc_scatter(m_hbm, ii_hbm, z_hbm, out_hbm, ii_v, m_v, acc, sem):
        c = lax.axis_index("c")
        s = lax.axis_index("s")
        wid = s * NC + c
        pltpu.sync_copy(z_hbm, acc.at[pl.ds(s * NPS, NPS)])
        plsc.subcore_barrier()

        base = wid * PER_W

        def body(t, carry):
            off = base + t * CS
            pltpu.sync_copy(ii_hbm.at[pl.ds(off, CS)], ii_v)
            pltpu.sync_copy(m_hbm.at[pl.ds(off, CS)], m_v)
            pltpu.sync_copy(m_v, acc.at[ii_v], add=True)
            return carry

        lax.fori_loop(0, PER_W // CS, body, 0)
        plsc.subcore_barrier()
        pltpu.sync_copy(acc.at[pl.ds(s * NPS, NPS)],
                        out_hbm.at[pl.ds(c * N + s * NPS, NPS)])

    return _sc_scatter


BE = 512


def _silu(v):
    return v * (1.0 / (1.0 + jnp.exp(-v)))


def _mlp_body(ei_ref, ej_ref, w1_ref, b1_ref, w2_ref, b2_ref, w3_ref, b3_ref,
              out_ref):
    ei = ei_ref[...]
    ej = ej_ref[...]
    xi = ei[:, 0:3]
    ti = ei[:, 3:4]
    xj = ej[:, 0:3]
    tj = ej[:, 3:4]
    dx = xj - xi
    dxx = dx[:, 0:1]
    dxy = dx[:, 1:2]
    dz = dx[:, 2:3]
    rxy2 = dxx * dxx + dxy * dxy
    r3 = jnp.sqrt(rxy2 + dz * dz)
    rxy = jnp.sqrt(rxy2)
    cti = jnp.cos(ti)
    sti = jnp.sin(ti)
    d2 = 2.0 * (tj - ti)
    ca = jnp.cos(d2)
    sa = jnp.sin(d2)
    pos = rxy > 0.0
    inv = jnp.where(pos, 1.0, 0.0) / jnp.where(pos, rxy, 1.0)
    cdp = jnp.where(pos, (dxx * cti + dxy * sti) * inv, cti)
    sdp = jnp.where(pos, (dxy * cti - dxx * sti) * inv, -sti)
    sgn = jnp.sign(dz)
    geom = jnp.concatenate([r3, rxy, dz, sdp, cdp, sa, ca, sgn * sa], axis=1)
    w1 = w1_ref[...]
    gg = jnp.dot(geom, w1[2:10, :], preferred_element_type=jnp.float32)
    gg = gg + b1_ref[...]
    vx = ej[:, 4:12]
    vy = ej[:, 12:20]
    vxr = ca * vx - sa * vy
    vyr = sa * vx + ca * vy
    w1x = w1[0:1, :].reshape(1, 1, HID)
    w1y = w1[1:2, :].reshape(1, 1, HID)
    h1 = vxr[:, :, None] * w1x + vyr[:, :, None] * w1y + gg[:, None, :]
    h1 = _silu(h1.reshape(BE * S, HID))
    h2 = _silu(jnp.dot(h1, w2_ref[...], preferred_element_type=jnp.float32)
               + b2_ref[...])
    out_ref[...] = (jnp.dot(h2, w3_ref[...], preferred_element_type=jnp.float32)
                    + b3_ref[...])


def _run_mlp(ei, ej, W1, b1, W2, b2, W3, b3):
    grid = E // BE
    full = lambda t: (0, 0)
    return pl.pallas_call(
        _mlp_body,
        grid=(grid,),
        in_specs=[
            pl.BlockSpec((BE, 4), lambda t: (t, 0)),
            pl.BlockSpec((BE, 20), lambda t: (t, 0)),
            pl.BlockSpec((10, HID), full),
            pl.BlockSpec((1, HID), full),
            pl.BlockSpec((HID, HID), full),
            pl.BlockSpec((1, HID), full),
            pl.BlockSpec((HID, 2), full),
            pl.BlockSpec((1, 2), full),
        ],
        out_specs=pl.BlockSpec((BE * S, 2), lambda t: (t, 0)),
        out_shape=jax.ShapeDtypeStruct((E * S, 2), jnp.float32),
    )(ei, ej, W1, b1.reshape(1, HID), W2, b2.reshape(1, HID), W3,
      b3.reshape(1, 2))


BN = 1000


def _add_body(a_ref, b_ref, o_ref):
    o_ref[...] = a_ref[...] + b_ref[...]


def _combine(parts):
    grid = N // BN
    return pl.pallas_call(
        _add_body,
        grid=(grid,),
        in_specs=[
            pl.BlockSpec((BN, 16), lambda t: (t, 0)),
            pl.BlockSpec((BN, 16), lambda t: (t + N // BN, 0)),
        ],
        out_specs=pl.BlockSpec((BN, 16), lambda t: (t, 0)),
        out_shape=jax.ShapeDtypeStruct((N, 16), jnp.float32),
    )(parts, parts)


@jax.jit
def kernel(x, theta, H, edge_index, W1, b1, W2, b2, W3, b3):
    ii = edge_index[0].astype(jnp.int32)
    jj = edge_index[1].astype(jnp.int32)
    th = theta[:, None]
    src_tab = jnp.concatenate([x, th], axis=1)
    dst_tab = jnp.concatenate([x, th, H[:, :, 0], H[:, :, 1]], axis=1)
    ei, ej = _make_sc_gather()(src_tab, dst_tab, ii, jj)
    msg = _run_mlp(ei, ej, W1, b1, W2, b2, W3, b3)
    m16 = msg.reshape(E, 16)
    zeros = jnp.zeros((NPS, 16), jnp.float32)
    parts = _make_sc_scatter()(m16, ii, zeros)
    return _combine(parts).reshape(N, S, 2)

# --- scband reference (transcript-rebuilt; emitter-appended) ---
"""Pipeline reference for scband-frame-aligned-gnnlayer3-d-43782896615986 (READ-ONLY COPY).

The authoritative reference and input builder live on the scoring server;
editing this copy changes nothing except your own understanding.
"""

import jax, jax.numpy as jnp
import numpy as np

N = 100000
E = 1600000
S = 8
HID = 32
IN_DIM = 10


def silu(v):
    return v * jax.nn.sigmoid(v)


def setup_inputs(seed: int = 0) -> dict:
    key = jax.random.key(seed)
    ks = jax.random.split(key, 12)
    x = jax.random.normal(ks[0], (N, 3), dtype=jnp.float32)
    theta = jax.random.uniform(ks[1], (N,), dtype=jnp.float32)
    H = jax.random.normal(ks[2], (N, S, 2), dtype=jnp.float32)
    edge_index = jax.random.randint(ks[3], (2, E), 0, N, dtype=jnp.int64)
    W1 = jax.random.normal(ks[4], (IN_DIM, HID), dtype=jnp.float32) * (1.0 / np.sqrt(IN_DIM))
    b1 = jnp.zeros((HID,), dtype=jnp.float32)
    W2 = jax.random.normal(ks[5], (HID, HID), dtype=jnp.float32) * (1.0 / np.sqrt(HID))
    b2 = jnp.zeros((HID,), dtype=jnp.float32)
    W3 = jax.random.normal(ks[6], (HID, 2), dtype=jnp.float32) * (1.0 / np.sqrt(HID))
    b3 = jnp.zeros((2,), dtype=jnp.float32)
    return {"x": x, "theta": theta, "H": H, "edge_index": edge_index,
            "W1": W1, "b1": b1, "W2": W2, "b2": b2, "W3": W3, "b3": b3}


def reference(x, theta, H, edge_index, W1, b1, W2, b2, W3, b3):
    i_idx = edge_index[0]
    j_idx = edge_index[1]
    dx = x[j_idx] - x[i_idx]
    dx_xy = dx[:, :2]
    dz = dx[:, 2]
    r_3d = jnp.sqrt(jnp.sum(dx * dx, axis=-1))
    r_xy = jnp.sqrt(jnp.sum(dx_xy * dx_xy, axis=-1))
    phi_ij = jnp.arctan2(dx_xy[:, 1], dx_xy[:, 0])
    theta_i = theta[i_idx]
    theta_j = theta[j_idx]
    delta_phi = phi_ij - theta_i
    delta_theta = theta_j - theta_i
    geom_feat = jnp.stack([
        r_3d, r_xy, dz,
        jnp.sin(delta_phi), jnp.cos(delta_phi),
        jnp.sin(2 * delta_theta), jnp.cos(2 * delta_theta),
        jnp.sign(dz) * jnp.sin(2 * delta_theta)
    ], axis=-1)
    angle_ji = 2 * (theta_j - theta_i)
    cos_a = jnp.cos(angle_ji)
    sin_a = jnp.sin(angle_ji)
    H_j = H[j_idx]
    v_x = H_j[..., 0]
    v_y = H_j[..., 1]
    v_x_rot = cos_a[:, None] * v_x - sin_a[:, None] * v_y
    v_y_rot = sin_a[:, None] * v_x + cos_a[:, None] * v_y
    H_j_in_i = jnp.stack([v_x_rot, v_y_rot], axis=-1)
    geom_expanded = jnp.broadcast_to(geom_feat[:, None, :], (E, S, 8))
    slot_input = jnp.concatenate([H_j_in_i, geom_expanded], axis=-1)
    slot_input_flat = slot_input.reshape(E * S, IN_DIM)
    h = silu(slot_input_flat @ W1 + b1)
    h = silu(h @ W2 + b2)
    msg_flat = h @ W3 + b3
    M = msg_flat.reshape(E, S, 2)
    H_new = jnp.zeros_like(H).at[i_idx].add(M)
    return H_new

if __name__ == "__main__":
    import jax
    _d = setup_inputs()
    print(jax.jit(kernel)(*tuple(_d.values())))

</pallas_src>

<mosaic_0001>
#map = affine_map<(d0, d1) -> (0, 0)>
#map1 = affine_map<(d0, d1) -> (0)>
module attributes {stable_mosaic.version = 14 : i64} {
  func.func @_sc_scatter(%arg0: i32, %arg1: i32, %arg2: memref<1600000x16xf32, #tpu.memory_space<hbm>>, %arg3: memref<1600000xi32, #tpu.memory_space<hbm>>, %arg4: memref<6250x16xf32, #tpu.memory_space<hbm>>, %arg5: memref<200000x16xf32, #tpu.memory_space<hbm>>, %arg6: memref<1000xi32, #tpu.memory_space<vmem>>, %arg7: memref<1000x16xf32, #tpu.memory_space<vmem>>, %arg8: memref<100000x16xf32, #tpu.memory_space<vmem_shared>>, %arg9: memref<!tpu.dma_semaphore, #tpu.memory_space<semaphore_mem>>) attributes {dimension_semantics = [#tpu.dimension_semantics<core_parallel>, #tpu.dimension_semantics<subcore_parallel>], iteration_bounds = array<i64: 2, 16>, scalar_prefetch = 0 : i64, scratch_operands = 4 : i64, tpu.core_type = #tpu.core_type<sc_vector_subcore>, window_params = [{transform_indices = #map}, {transform_indices = #map1}, {transform_indices = #map}, {transform_indices = #map}]} {
    %mul3A = arith.constant 2 : i32
    %mul3A_0 = arith.muli %arg1, %mul3A : i32
    %add3A = arith.addi %mul3A_0, %arg0 : i32
    %mul3A_1 = arith.constant 6250 : i32
    %mul3A_2 = arith.muli %arg1, %mul3A_1 : i32
    "tpu.region"() ({
      %run_scoped3A = tpu.sem_alloc : memref<!tpu.dma_semaphore, #tpu.memory_space<semaphore_mem>>
      %dma_start3A = arith.constant 0 : i32
      %dma_start3A_18 = tpu.memref_slice %arg8[%mul3A_2, %dma_start3A] : memref<100000x16xf32, #tpu.memory_space<vmem_shared>> -> memref<6250x16xf32, #tpu.memory_space<vmem_shared>>
      tpu.enqueue_dma source(%arg4 : memref<6250x16xf32, #tpu.memory_space<hbm>>) target(%dma_start3A_18 : memref<6250x16xf32, #tpu.memory_space<vmem_shared>>) target_semaphore(%run_scoped3A : memref<!tpu.dma_semaphore, #tpu.memory_space<semaphore_mem>>)
      %dma_wait3A = arith.constant 0 : i32
      %dma_wait3A_19 = tpu.memref_slice %arg8[%mul3A_2, %dma_wait3A] : memref<100000x16xf32, #tpu.memory_space<vmem_shared>> -> memref<6250x16xf32, #tpu.memory_space<vmem_shared>>
      tpu.wait_dma2 semaphore(%run_scoped3A : memref<!tpu.dma_semaphore, #tpu.memory_space<semaphore_mem>>) src(%arg4 : memref<6250x16xf32, #tpu.memory_space<hbm>>) dst(%dma_wait3A_19 : memref<6250x16xf32, #tpu.memory_space<vmem_shared>>)
      tpu.yield
    }) : () -> ()
    %barrier3A = arith.constant 0 : index
    tpu.barrier barrier_id(%barrier3A)
    %mul3A_3 = arith.constant 50000 : i32
    %mul3A_4 = arith.muli %add3A, %mul3A_3 : i32
    %scan3A = arith.constant 0 : i32
    %scan3A_5 = arith.constant 0 : i32
    %scan3A_6 = arith.constant 50 : i32
    %scan3A_7 = arith.addi %scan3A_5, %scan3A_6 : i32
    %scan3A_8 = arith.constant 1 : i32
    scf.for %scan3A_18 = %scan3A_5 to %scan3A_7 step %scan3A_8  : i32 {
      %mul3A_19 = arith.constant 1000 : i32
      %mul3A_20 = arith.muli %scan3A_18, %mul3A_19 : i32
      %add3A_21 = arith.addi %mul3A_4, %mul3A_20 : i32
      "tpu.region"() ({
        %run_scoped3A = tpu.sem_alloc : memref<!tpu.dma_semaphore, #tpu.memory_space<semaphore_mem>>
        %dma_start3A = tpu.memref_slice %arg3[%add3A_21] : memref<1600000xi32, #tpu.memory_space<hbm>> -> memref<1000xi32, #tpu.memory_space<hbm>>
        %dma_start3A_22 = tpu.memref_slice %arg3[%add3A_21] : memref<1600000xi32, #tpu.memory_space<hbm>> -> memref<1000xi32, #tpu.memory_space<hbm>>
        tpu.enqueue_dma source(%dma_start3A_22 : memref<1000xi32, #tpu.memory_space<hbm>>) target(%arg6 : memref<1000xi32, #tpu.memory_space<vmem>>) target_semaphore(%run_scoped3A : memref<!tpu.dma_semaphore, #tpu.memory_space<semaphore_mem>>)
        %dma_wait3A = tpu.memref_slice %arg3[%add3A_21] : memref<1600000xi32, #tpu.memory_space<hbm>> -> memref<1000xi32, #tpu.memory_space<hbm>>
        %dma_wait3A_23 = tpu.memref_slice %arg3[%add3A_21] : memref<1600000xi32, #tpu.memory_space<hbm>> -> memref<1000xi32, #tpu.memory_space<hbm>>
        tpu.wait_dma2 semaphore(%run_scoped3A : memref<!tpu.dma_semaphore, #tpu.memory_space<semaphore_mem>>) src(%dma_wait3A_23 : memref<1000xi32, #tpu.memory_space<hbm>>) dst(%arg6 : memref<1000xi32, #tpu.memory_space<vmem>>)
        tpu.yield
      }) : () -> ()
      "tpu.region"() ({
        %run_scoped3A = tpu.sem_alloc : memref<!tpu.dma_semaphore, #tpu.memory_space<semaphore_mem>>
        %dma_start3A = arith.constant 0 : i32
        %dma_start3A_22 = tpu.memref_slice %arg2[%add3A_21, %dma_start3A] : memref<1600000x16xf32, #tpu.memory_space<hbm>> -> memref<1000x16xf32, #tpu.memory_space<hbm>>
        %dma_start3A_23 = arith.constant 0 : i32
        %dma_start3A_24 = tpu.memref_slice %arg2[%add3A_21, %dma_start3A_23] : memref<1600000x16xf32, #tpu.memory_space<hbm>> -> memref<1000x16xf32, #tpu.memory_space<hbm>>
        tpu.enqueue_dma source(%dma_start3A_24 : memref<1000x16xf32, #tpu.memory_space<hbm>>) target(%arg7 : memref<1000x16xf32, #tpu.memory_space<vmem>>) target_semaphore(%run_scoped3A : memref<!tpu.dma_semaphore, #tpu.memory_space<semaphore_mem>>)
        %dma_wait3A = arith.constant 0 : i32
        %dma_wait3A_25 = tpu.memref_slice %arg2[%add3A_21, %dma_wait3A] : memref<1600000x16xf32, #tpu.memory_space<hbm>> -> memref<1000x16xf32, #tpu.memory_space<hbm>>
        %dma_wait3A_26 = arith.constant 0 : i32
        %dma_wait3A_27 = tpu.memref_slice %arg2[%add3A_21, %dma_wait3A_26] : memref<1600000x16xf32, #tpu.memory_space<hbm>> -> memref<1000x16xf32, #tpu.memory_space<hbm>>
        tpu.wait_dma2 semaphore(%run_scoped3A : memref<!tpu.dma_semaphore, #tpu.memory_space<semaphore_mem>>) src(%dma_wait3A_27 : memref<1000x16xf32, #tpu.memory_space<hbm>>) dst(%arg7 : memref<1000x16xf32, #tpu.memory_space<vmem>>)
        tpu.yield
      }) : () -> ()
      "tpu.region"() ({
        %run_scoped3A = tpu.sem_alloc : memref<!tpu.dma_semaphore, #tpu.memory_space<semaphore_mem>>
        %dma_start3A = arith.constant 0 : i32
        %dma_start3A_22 = arith.constant 0 : i32
        %dma_start3A_23 = tpu.memref_slice %arg8[%dma_start3A, %dma_start3A_22] : memref<100000x16xf32, #tpu.memory_space<vmem_shared>> -> memref<100000x16xf32, #tpu.memory_space<vmem_shared>>
        tpu.enqueue_indirect_dma source(%arg7 : memref<1000x16xf32, #tpu.memory_space<vmem>>) target(%dma_start3A_23 : memref<100000x16xf32, #tpu.memory_space<vmem_shared>>) offsets(%arg6 : memref<1000xi32, #tpu.memory_space<vmem>>) semaphore(%run_scoped3A : memref<!tpu.dma_semaphore, #tpu.memory_space<semaphore_mem>>) {add = true}
        %dma_wait3A = arith.constant 0 : i32
        %dma_wait3A_24 = arith.constant 0 : i32
        %dma_wait3A_25 = tpu.memref_slice %arg8[%dma_wait3A, %dma_wait3A_24] : memref<100000x16xf32, #tpu.memory_space<vmem_shared>> -> memref<100000x16xf32, #tpu.memory_space<vmem_shared>>
        tpu.wait_indirect_dma semaphore(%run_scoped3A : memref<!tpu.dma_semaphore, #tpu.memory_space<semaphore_mem>>) src(%arg7 : memref<1000x16xf32, #tpu.memory_space<vmem>>) dst(%dma_wait3A_25 : memref<100000x16xf32, #tpu.memory_space<vmem_shared>>)
        tpu.yield
      }) : () -> ()
    }
    %scan3A_9 = arith.constant 50 : i32
    %barrier3A_10 = arith.constant 0 : index
    tpu.barrier barrier_id(%barrier3A_10)
    %mul3A_11 = arith.constant 6250 : i32
    %mul3A_12 = arith.muli %arg1, %mul3A_11 : i32
    %mul3A_13 = arith.constant 100000 : i32
    %mul3A_14 = arith.muli %arg0, %mul3A_13 : i32
    %mul3A_15 = arith.constant 6250 : i32
    %mul3A_16 = arith.muli %arg1, %mul3A_15 : i32
    %add3A_17 = arith.addi %mul3A_14, %mul3A_16 : i32
    "tpu.region"() ({
      %run_scoped3A = tpu.sem_alloc : memref<!tpu.dma_semaphore, #tpu.memory_space<semaphore_mem>>
      %dma_start3A = arith.constant 0 : i32
      %dma_start3A_18 = tpu.memref_slice %arg5[%add3A_17, %dma_start3A] : memref<200000x16xf32, #tpu.memory_space<hbm>> -> memref<6250x16xf32, #tpu.memory_space<hbm>>
      %dma_start3A_19 = arith.constant 0 : i32
      %dma_start3A_20 = tpu.memref_slice %arg8[%mul3A_12, %dma_start3A_19] : memref<100000x16xf32, #tpu.memory_space<vmem_shared>> -> memref<6250x16xf32, #tpu.memory_space<vmem_shared>>
      tpu.enqueue_dma source(%dma_start3A_20 : memref<6250x16xf32, #tpu.memory_space<vmem_shared>>) target(%dma_start3A_18 : memref<6250x16xf32, #tpu.memory_space<hbm>>) target_semaphore(%run_scoped3A : memref<!tpu.dma_semaphore, #tpu.memory_space<semaphore_mem>>)
      %dma_wait3A = arith.constant 0 : i32
      %dma_wait3A_21 = tpu.memref_slice %arg5[%add3A_17, %dma_wait3A] : memref<200000x16xf32, #tpu.memory_space<hbm>> -> memref<6250x16xf32, #tpu.memory_space<hbm>>
      %dma_wait3A_22 = arith.constant 0 : i32
      %dma_wait3A_23 = tpu.memref_slice %arg8[%mul3A_12, %dma_wait3A_22] : memref<100000x16xf32, #tpu.memory_space<vmem_shared>> -> memref<6250x16xf32, #tpu.memory_space<vmem_shared>>
      tpu.wait_dma2 semaphore(%run_scoped3A : memref<!tpu.dma_semaphore, #tpu.memory_space<semaphore_mem>>) src(%dma_wait3A_23 : memref<6250x16xf32, #tpu.memory_space<vmem_shared>>) dst(%dma_wait3A_21 : memref<6250x16xf32, #tpu.memory_space<hbm>>)
      tpu.yield
    }) : () -> ()
    return
  }
}

#map = affine_map<(d0, d1) -> (0, 0)>
#map1 = affine_map<(d0, d1) -> (0)>
module attributes {stable_mosaic.version = 14 : i64} {
  func.func @_sc_gather(%arg0: i32, %arg1: i32, %arg2: memref<100000x4xf32, #tpu.memory_space<hbm>>, %arg3: memref<100000x20xf32, #tpu.memory_space<hbm>>, %arg4: memref<1600000xi32, #tpu.memory_space<hbm>>, %arg5: memref<1600000xi32, #tpu.memory_space<hbm>>, %arg6: memref<1600000x4xf32, #tpu.memory_space<hbm>>, %arg7: memref<1600000x20xf32, #tpu.memory_space<hbm>>, %arg8: memref<1000xi32, #tpu.memory_space<vmem>>, %arg9: memref<1000xi32, #tpu.memory_space<vmem>>, %arg10: memref<1000x4xf32, #tpu.memory_space<vmem>>, %arg11: memref<1000x20xf32, #tpu.memory_space<vmem>>, %arg12: memref<!tpu.dma_semaphore, #tpu.memory_space<semaphore_mem>>, %arg13: memref<!tpu.dma_semaphore, #tpu.memory_space<semaphore_mem>>) attributes {dimension_semantics = [#tpu.dimension_semantics<core_parallel>, #tpu.dimension_semantics<subcore_parallel>], iteration_bounds = array<i64: 2, 16>, scalar_prefetch = 0 : i64, scratch_operands = 6 : i64, tpu.core_type = #tpu.core_type<sc_vector_subcore>, window_params = [{transform_indices = #map}, {transform_indices = #map}, {transform_indices = #map1}, {transform_indices = #map1}, {transform_indices = #map}, {transform_indices = #map}]} {
    %mul3A = arith.constant 2 : i32
    %mul3A_0 = arith.muli %arg1, %mul3A : i32
    %add3A = arith.addi %mul3A_0, %arg0 : i32
    %mul3A_1 = arith.constant 50000 : i32
    %mul3A_2 = arith.muli %add3A, %mul3A_1 : i32
    %scan3A = arith.constant 0 : i32
    %scan3A_3 = arith.constant 0 : i32
    %scan3A_4 = arith.constant 50 : i32
    %scan3A_5 = arith.addi %scan3A_3, %scan3A_4 : i32
    %scan3A_6 = arith.constant 1 : i32
    scf.for %scan3A_8 = %scan3A_3 to %scan3A_5 step %scan3A_6  : i32 {
      %mul3A_9 = arith.constant 1000 : i32
      %mul3A_10 = arith.muli %scan3A_8, %mul3A_9 : i32
      %add3A_11 = arith.addi %mul3A_2, %mul3A_10 : i32
      "tpu.region"() ({
        %run_scoped3A = tpu.sem_alloc : memref<!tpu.dma_semaphore, #tpu.memory_space<semaphore_mem>>
        %dma_start3A_22 = tpu.memref_slice %arg4[%add3A_11] : memref<1600000xi32, #tpu.memory_space<hbm>> -> memref<1000xi32, #tpu.memory_space<hbm>>
        %dma_start3A_23 = tpu.memref_slice %arg4[%add3A_11] : memref<1600000xi32, #tpu.memory_space<hbm>> -> memref<1000xi32, #tpu.memory_space<hbm>>
        tpu.enqueue_dma source(%dma_start3A_23 : memref<1000xi32, #tpu.memory_space<hbm>>) target(%arg8 : memref<1000xi32, #tpu.memory_space<vmem>>) target_semaphore(%run_scoped3A : memref<!tpu.dma_semaphore, #tpu.memory_space<semaphore_mem>>)
        %dma_wait3A_24 = tpu.memref_slice %arg4[%add3A_11] : memref<1600000xi32, #tpu.memory_space<hbm>> -> memref<1000xi32, #tpu.memory_space<hbm>>
        %dma_wait3A_25 = tpu.memref_slice %arg4[%add3A_11] : memref<1600000xi32, #tpu.memory_space<hbm>> -> memref<1000xi32, #tpu.memory_space<hbm>>
        tpu.wait_dma2 semaphore(%run_scoped3A : memref<!tpu.dma_semaphore, #tpu.memory_space<semaphore_mem>>) src(%dma_wait3A_25 : memref<1000xi32, #tpu.memory_space<hbm>>) dst(%arg8 : memref<1000xi32, #tpu.memory_space<vmem>>)
        tpu.yield
      }) : () -> ()
      "tpu.region"() ({
        %run_scoped3A = tpu.sem_alloc : memref<!tpu.dma_semaphore, #tpu.memory_space<semaphore_mem>>
        %dma_start3A_22 = tpu.memref_slice %arg5[%add3A_11] : memref<1600000xi32, #tpu.memory_space<hbm>> -> memref<1000xi32, #tpu.memory_space<hbm>>
        %dma_start3A_23 = tpu.memref_slice %arg5[%add3A_11] : memref<1600000xi32, #tpu.memory_space<hbm>> -> memref<1000xi32, #tpu.memory_space<hbm>>
        tpu.enqueue_dma source(%dma_start3A_23 : memref<1000xi32, #tpu.memory_space<hbm>>) target(%arg9 : memref<1000xi32, #tpu.memory_space<vmem>>) target_semaphore(%run_scoped3A : memref<!tpu.dma_semaphore, #tpu.memory_space<semaphore_mem>>)
        %dma_wait3A_24 = tpu.memref_slice %arg5[%add3A_11] : memref<1600000xi32, #tpu.memory_space<hbm>> -> memref<1000xi32, #tpu.memory_space<hbm>>
        %dma_wait3A_25 = tpu.memref_slice %arg5[%add3A_11] : memref<1600000xi32, #tpu.memory_space<hbm>> -> memref<1000xi32, #tpu.memory_space<hbm>>
        tpu.wait_dma2 semaphore(%run_scoped3A : memref<!tpu.dma_semaphore, #tpu.memory_space<semaphore_mem>>) src(%dma_wait3A_25 : memref<1000xi32, #tpu.memory_space<hbm>>) dst(%arg9 : memref<1000xi32, #tpu.memory_space<vmem>>)
        tpu.yield
      }) : () -> ()
      %dma_start3A = arith.constant 0 : i32
      %dma_start3A_12 = arith.constant 0 : i32
      %dma_start3A_13 = tpu.memref_slice %arg2[%dma_start3A, %dma_start3A_12] : memref<100000x4xf32, #tpu.memory_space<hbm>> -> memref<100000x4xf32, #tpu.memory_space<hbm>>
      tpu.enqueue_indirect_dma source(%dma_start3A_13 : memref<100000x4xf32, #tpu.memory_space<hbm>>) target(%arg10 : memref<1000x4xf32, #tpu.memory_space<vmem>>) offsets(%arg8 : memref<1000xi32, #tpu.memory_space<vmem>>) semaphore(%arg12 : memref<!tpu.dma_semaphore, #tpu.memory_space<semaphore_mem>>)
      %dma_start3A_14 = arith.constant 0 : i32
      %dma_start3A_15 = arith.constant 0 : i32
      %dma_start3A_16 = tpu.memref_slice %arg3[%dma_start3A_14, %dma_start3A_15] : memref<100000x20xf32, #tpu.memory_space<hbm>> -> memref<100000x20xf32, #tpu.memory_space<hbm>>
      tpu.enqueue_indirect_dma source(%dma_start3A_16 : memref<100000x20xf32, #tpu.memory_space<hbm>>) target(%arg11 : memref<1000x20xf32, #tpu.memory_space<vmem>>) offsets(%arg9 : memref<1000xi32, #tpu.memory_space<vmem>>) semaphore(%arg13 : memref<!tpu.dma_semaphore, #tpu.memory_space<semaphore_mem>>)
      %dma_wait3A = arith.constant 0 : i32
      %dma_wait3A_17 = arith.constant 0 : i32
      %dma_wait3A_18 = tpu.memref_slice %arg2[%dma_wait3A, %dma_wait3A_17] : memref<100000x4xf32, #tpu.memory_space<hbm>> -> memref<100000x4xf32, #tpu.memory_space<hbm>>
      tpu.wait_indirect_dma semaphore(%arg12 : memref<!tpu.dma_semaphore, #tpu.memory_space<semaphore_mem>>) src(%dma_wait3A_18 : memref<100000x4xf32, #tpu.memory_space<hbm>>) dst(%arg10 : memref<1000x4xf32, #tpu.memory_space<vmem>>)
      %dma_wait3A_19 = arith.constant 0 : i32
      %dma_wait3A_20 = arith.constant 0 : i32
      %dma_wait3A_21 = tpu.memref_slice %arg3[%dma_wait3A_19, %dma_wait3A_20] : memref<100000x20xf32, #tpu.memory_space<hbm>> -> memref<100000x20xf32, #tpu.memory_space<hbm>>
      tpu.wait_indirect_dma semaphore(%arg13 : memref<!tpu.dma_semaphore, #tpu.memory_space<semaphore_mem>>) src(%dma_wait3A_21 : memref<100000x20xf32, #tpu.memory_space<hbm>>) dst(%arg11 : memref<1000x20xf32, #tpu.memory_space<vmem>>)
      "tpu.region"() ({
        %run_scoped3A = tpu.sem_alloc : memref<!tpu.dma_semaphore, #tpu.memory_space<semaphore_mem>>
        %dma_start3A_22 = arith.constant 0 : i32
        %dma_start3A_23 = tpu.memref_slice %arg6[%add3A_11, %dma_start3A_22] : memref<1600000x4xf32, #tpu.memory_space<hbm>> -> memref<1000x4xf32, #tpu.memory_space<hbm>>
        %dma_start3A_24 = arith.constant 0 : i32
        %dma_start3A_25 = tpu.memref_slice %arg6[%add3A_11, %dma_start3A_24] : memref<1600000x4xf32, #tpu.memory_space<hbm>> -> memref<1000x4xf32, #tpu.memory_space<hbm>>
        tpu.enqueue_dma source(%arg10 : memref<1000x4xf32, #tpu.memory_space<vmem>>) target(%dma_start3A_25 : memref<1000x4xf32, #tpu.memory_space<hbm>>) target_semaphore(%run_scoped3A : memref<!tpu.dma_semaphore, #tpu.memory_space<semaphore_mem>>)
        %dma_wait3A_26 = arith.constant 0 : i32
        %dma_wait3A_27 = tpu.memref_slice %arg6[%add3A_11, %dma_wait3A_26] : memref<1600000x4xf32, #tpu.memory_space<hbm>> -> memref<1000x4xf32, #tpu.memory_space<hbm>>
        %dma_wait3A_28 = arith.constant 0 : i32
        %dma_wait3A_29 = tpu.memref_slice %arg6[%add3A_11, %dma_wait3A_28] : memref<1600000x4xf32, #tpu.memory_space<hbm>> -> memref<1000x4xf32, #tpu.memory_space<hbm>>
        tpu.wait_dma2 semaphore(%run_scoped3A : memref<!tpu.dma_semaphore, #tpu.memory_space<semaphore_mem>>) src(%arg10 : memref<1000x4xf32, #tpu.memory_space<vmem>>) dst(%dma_wait3A_29 : memref<1000x4xf32, #tpu.memory_space<hbm>>)
        tpu.yield
      }) : () -> ()
      "tpu.region"() ({
        %run_scoped3A = tpu.sem_alloc : memref<!tpu.dma_semaphore, #tpu.memory_space<semaphore_mem>>
        %dma_start3A_22 = arith.constant 0 : i32
        %dma_start3A_23 = tpu.memref_slice %arg7[%add3A_11, %dma_start3A_22] : memref<1600000x20xf32, #tpu.memory_space<hbm>> -> memref<1000x20xf32, #tpu.memory_space<hbm>>
        %dma_start3A_24 = arith.constant 0 : i32
        %dma_start3A_25 = tpu.memref_slice %arg7[%add3A_11, %dma_start3A_24] : memref<1600000x20xf32, #tpu.memory_space<hbm>> -> memref<1000x20xf32, #tpu.memory_space<hbm>>
        tpu.enqueue_dma source(%arg11 : memref<1000x20xf32, #tpu.memory_space<vmem>>) target(%dma_start3A_25 : memref<1000x20xf32, #tpu.memory_space<hbm>>) target_semaphore(%run_scoped3A : memref<!tpu.dma_semaphore, #tpu.memory_space<semaphore_mem>>)
        %dma_wait3A_26 = arith.constant 0 : i32
        %dma_wait3A_27 = tpu.memref_slice %arg7[%add3A_11, %dma_wait3A_26] : memref<1600000x20xf32, #tpu.memory_space<hbm>> -> memref<1000x20xf32, #tpu.memory_space<hbm>>
        %dma_wait3A_28 = arith.constant 0 : i32
        %dma_wait3A_29 = tpu.memref_slice %arg7[%add3A_11, %dma_wait3A_28] : memref<1600000x20xf32, #tpu.memory_space<hbm>> -> memref<1000x20xf32, #tpu.memory_space<hbm>>
        tpu.wait_dma2 semaphore(%run_scoped3A : memref<!tpu.dma_semaphore, #tpu.memory_space<semaphore_mem>>) src(%arg11 : memref<1000x20xf32, #tpu.memory_space<vmem>>) dst(%dma_wait3A_29 : memref<1000x20xf32, #tpu.memory_space<hbm>>)
        tpu.yield
      }) : () -> ()
    }
    %scan3A_7 = arith.constant 50 : i32
    return
  }
}

module attributes {stable_mosaic.version = 14 : i64} {
  func.func @_mlp_body(%arg0: i32, %arg1: memref<512x4xf32, #tpu.memory_space<vmem>>, %arg2: memref<512x20xf32, #tpu.memory_space<vmem>>, %arg3: memref<10x32xf32, #tpu.memory_space<vmem>>, %arg4: memref<1x32xf32, #tpu.memory_space<vmem>>, %arg5: memref<32x32xf32, #tpu.memory_space<vmem>>, %arg6: memref<1x32xf32, #tpu.memory_space<vmem>>, %arg7: memref<32x2xf32, #tpu.memory_space<vmem>>, %arg8: memref<1x2xf32, #tpu.memory_space<vmem>>, %arg9: memref<4096x2xf32, #tpu.memory_space<vmem>>) attributes {dimension_semantics = [#tpu.dimension_semantics<arbitrary>], iteration_bounds = array<i64: 3125>, scalar_prefetch = 0 : i64, scratch_operands = 0 : i64, tpu.core_type = #tpu.core_type<tc>, window_params = [{transform_indices = @transform_0, window_bounds = array<i64: 512, 4>}, {transform_indices = @transform_1, window_bounds = array<i64: 512, 20>}, {pipeline_mode = #tpu.pipeline_mode<synchronous>, transform_indices = @transform_2, window_bounds = array<i64: 10, 32>}, {pipeline_mode = #tpu.pipeline_mode<synchronous>, transform_indices = @transform_3, window_bounds = array<i64: 1, 32>}, {pipeline_mode = #tpu.pipeline_mode<synchronous>, transform_indices = @transform_4, window_bounds = array<i64: 32, 32>}, {pipeline_mode = #tpu.pipeline_mode<synchronous>, transform_indices = @transform_5, window_bounds = array<i64: 1, 32>}, {pipeline_mode = #tpu.pipeline_mode<synchronous>, transform_indices = @transform_6, window_bounds = array<i64: 32, 2>}, {pipeline_mode = #tpu.pipeline_mode<synchronous>, transform_indices = @transform_7, window_bounds = array<i64: 1, 2>}, {transform_indices = @transform_8, window_bounds = array<i64: 4096, 2>}]} {
    %get3A = arith.constant 0 : index
    %get3A_0 = arith.constant 0 : index
    %get3A_1 = vector.load %arg1[%get3A, %get3A_0] : memref<512x4xf32, #tpu.memory_space<vmem>>, vector<512x4xf32>
    %get3A_2 = arith.constant 0 : index
    %get3A_3 = arith.constant 0 : index
    %get3A_4 = vector.load %arg2[%get3A_2, %get3A_3] : memref<512x20xf32, #tpu.memory_space<vmem>>, vector<512x20xf32>
    %slice3A = vector.extract_strided_slice %get3A_1 {offsets = [0, 0], sizes = [512, 3], strides = [1, 1]} : vector<512x4xf32> to vector<512x3xf32>
    %slice3A_5 = vector.extract_strided_slice %get3A_1 {offsets = [0, 3], sizes = [512, 1], strides = [1, 1]} : vector<512x4xf32> to vector<512x1xf32>
    %slice3A_6 = vector.extract_strided_slice %get3A_4 {offsets = [0, 0], sizes = [512, 3], strides = [1, 1]} : vector<512x20xf32> to vector<512x3xf32>
    %slice3A_7 = vector.extract_strided_slice %get3A_4 {offsets = [0, 3], sizes = [512, 1], strides = [1, 1]} : vector<512x20xf32> to vector<512x1xf32>
    %sub3A = arith.subf %slice3A_6, %slice3A : vector<512x3xf32>
    %slice3A_8 = vector.extract_strided_slice %sub3A {offsets = [0, 0], sizes = [512, 1], strides = [1, 1]} : vector<512x3xf32> to vector<512x1xf32>
    %slice3A_9 = vector.extract_strided_slice %sub3A {offsets = [0, 1], sizes = [512, 1], strides = [1, 1]} : vector<512x3xf32> to vector<512x1xf32>
    %slice3A_10 = vector.extract_strided_slice %sub3A {offsets = [0, 2], sizes = [512, 1], strides = [1, 1]} : vector<512x3xf32> to vector<512x1xf32>
    %mul3A = arith.mulf %slice3A_8, %slice3A_8 : vector<512x1xf32>
    %mul3A_11 = arith.mulf %slice3A_9, %slice3A_9 : vector<512x1xf32>
    %add3A = arith.addf %mul3A, %mul3A_11 : vector<512x1xf32>
    %mul3A_12 = arith.mulf %slice3A_10, %slice3A_10 : vector<512x1xf32>
    %add3A_13 = arith.addf %add3A, %mul3A_12 : vector<512x1xf32>
    %sqrt3A = math.sqrt %add3A_13 : vector<512x1xf32>
    %sqrt3A_14 = math.sqrt %add3A : vector<512x1xf32>
    %cos3A = math.cos %slice3A_5 : vector<512x1xf32>
    %sin3A = math.sin %slice3A_5 : vector<512x1xf32>
    %sub3A_15 = arith.subf %slice3A_7, %slice3A_5 : vector<512x1xf32>
    %mul3A_16 = arith.constant 2.000000e+00 : f32
    %mul3A_17 = vector.broadcast %mul3A_16 : f32 to vector<512x1xf32>
    %mul3A_18 = arith.mulf %mul3A_17, %sub3A_15 : vector<512x1xf32>
    %cos3A_19 = math.cos %mul3A_18 : vector<512x1xf32>
    %sin3A_20 = math.sin %mul3A_18 : vector<512x1xf32>
    %gt3A = arith.constant 0.000000e+00 : f32
    %gt3A_21 = vector.broadcast %gt3A : f32 to vector<512x1xf32>
    %gt3A_22 = arith.cmpf ogt, %sqrt3A_14, %gt3A_21 : vector<512x1xf32>
    %jit3A = arith.constant 1.000000e+00 : f32
    %jit3A_23 = arith.constant 0.000000e+00 : f32
    %broadcast_in_dim3A = vector.broadcast %jit3A : f32 to vector<512x1xf32>
    %broadcast_in_dim3A_24 = vector.broadcast %jit3A_23 : f32 to vector<512x1xf32>
    %select_n3A = arith.select %gt3A_22, %broadcast_in_dim3A, %broadcast_in_dim3A_24 : vector<512x1xi1>, vector<512x1xf32>
    %jit3A_25 = arith.constant 1.000000e+00 : f32
    %broadcast_in_dim3A_26 = vector.broadcast %jit3A_25 : f32 to vector<512x1xf32>
    %select_n3A_27 = arith.select %gt3A_22, %sqrt3A_14, %broadcast_in_dim3A_26 : vector<512x1xi1>, vector<512x1xf32>
    %div3A = arith.divf %select_n3A, %select_n3A_27 : vector<512x1xf32>
    %mul3A_28 = arith.mulf %slice3A_8, %cos3A : vector<512x1xf32>
    %mul3A_29 = arith.mulf %slice3A_9, %sin3A : vector<512x1xf32>
    %add3A_30 = arith.addf %mul3A_28, %mul3A_29 : vector<512x1xf32>
    %mul3A_31 = arith.mulf %add3A_30, %div3A : vector<512x1xf32>
    %select_n3A_32 = arith.select %gt3A_22, %mul3A_31, %cos3A : vector<512x1xi1>, vector<512x1xf32>
    %mul3A_33 = arith.mulf %slice3A_9, %cos3A : vector<512x1xf32>
    %mul3A_34 = arith.mulf %slice3A_8, %sin3A : vector<512x1xf32>
    %sub3A_35 = arith.subf %mul3A_33, %mul3A_34 : vector<512x1xf32>
    %mul3A_36 = arith.mulf %sub3A_35, %div3A : vector<512x1xf32>
    %neg3A = arith.constant 0.000000e+00 : f32
    %neg3A_37 = vector.broadcast %neg3A : f32 to vector<512x1xf32>
    %neg3A_38 = arith.subf %neg3A_37, %sin3A : vector<512x1xf32>
    %select_n3A_39 = arith.select %gt3A_22, %mul3A_36, %neg3A_38 : vector<512x1xi1>, vector<512x1xf32>
    %sign3A = tpu.bitcast %slice3A_10 : vector<512x1xf32> -> vector<512x1xi32>
    %sign3A_40 = arith.constant -2147483648 : i32
    %sign3A_41 = vector.broadcast %sign3A_40 : i32 to vector<512x1xi32>
    %sign3A_42 = arith.andi %sign3A, %sign3A_41 : vector<512x1xi32>
    %sign3A_43 = arith.constant 1065353216 : i32
    %sign3A_44 = vector.broadcast %sign3A_43 : i32 to vector<512x1xi32>
    %sign3A_45 = arith.ori %sign3A_44, %sign3A_42 : vector<512x1xi32>
    %sign3A_46 = tpu.bitcast %sign3A_45 : vector<512x1xi32> -> vector<512x1xf32>
    %sign3A_47 = math.absf %slice3A_10 : vector<512x1xf32>
    %sign3A_48 = arith.constant 0.000000e+00 : f32
    %sign3A_49 = vector.broadcast %sign3A_48 : f32 to vector<512x1xf32>
    %sign3A_50 = arith.cmpf ogt, %sign3A_47, %sign3A_49 : vector<512x1xf32>
    %sign3A_51 = arith.select %sign3A_50, %sign3A_46, %slice3A_10 : vector<512x1xi1>, vector<512x1xf32>
    %mul3A_52 = arith.mulf %sign3A_51, %sin3A_20 : vector<512x1xf32>
    %concatenate3A = tpu.concatenate %sqrt3A, %sqrt3A_14, %slice3A_10, %select_n3A_39, %select_n3A_32, %sin3A_20, %cos3A_19, %mul3A_52 in 1 : vector<512x1xf32>, vector<512x1xf32>, vector<512x1xf32>, vector<512x1xf32>, vector<512x1xf32>, vector<512x1xf32>, vector<512x1xf32>, vector<512x1xf32> -> vector<512x8xf32>
    %get3A_53 = arith.constant 0 : index
    %get3A_54 = arith.constant 0 : index
    %get3A_55 = vector.load %arg3[%get3A_53, %get3A_54] : memref<10x32xf32, #tpu.memory_space<vmem>>, vector<10x32xf32>
    %slice3A_56 = vector.extract_strided_slice %get3A_55 {offsets = [2, 0], sizes = [8, 32], strides = [1, 1]} : vector<10x32xf32> to vector<8x32xf32>
    %dot_general3A = arith.constant dense<0.000000e+00> : vector<512x32xf32>
    %dot_general3A_57 = tpu.matmul %concatenate3A, %slice3A_56, %dot_general3A {dimension_numbers = #tpu.dot_dimension_numbers<[1], [0], [0], [1], [0, 0, 1, 1], [], []>, transpose_lhs_hint = false} : vector<512x8xf32>, vector<8x32xf32>, vector<512x32xf32> -> vector<512x32xf32>
    %get3A_58 = arith.constant 0 : index
    %get3A_59 = arith.constant 0 : index
    %get3A_60 = vector.load %arg4[%get3A_58, %get3A_59] : memref<1x32xf32, #tpu.memory_space<vmem>>, vector<1x32xf32>
    %add3A_61 = vector.broadcast %get3A_60 : vector<1x32xf32> to vector<512x32xf32>
    %add3A_62 = arith.addf %dot_general3A_57, %add3A_61 : vector<512x32xf32>
    %slice3A_63 = vector.extract_strided_slice %get3A_4 {offsets = [0, 4], sizes = [512, 8], strides = [1, 1]} : vector<512x20xf32> to vector<512x8xf32>
    %slice3A_64 = vector.extract_strided_slice %get3A_4 {offsets = [0, 12], sizes = [512, 8], strides = [1, 1]} : vector<512x20xf32> to vector<512x8xf32>
    %mul3A_65 = vector.broadcast %cos3A_19 : vector<512x1xf32> to vector<512x8xf32>
    %mul3A_66 = arith.mulf %mul3A_65, %slice3A_63 : vector<512x8xf32>
    %mul3A_67 = vector.broadcast %sin3A_20 : vector<512x1xf32> to vector<512x8xf32>
    %mul3A_68 = arith.mulf %mul3A_67, %slice3A_64 : vector<512x8xf32>
    %sub3A_69 = arith.subf %mul3A_66, %mul3A_68 : vector<512x8xf32>
    %mul3A_70 = vector.broadcast %sin3A_20 : vector<512x1xf32> to vector<512x8xf32>
    %mul3A_71 = arith.mulf %mul3A_70, %slice3A_63 : vector<512x8xf32>
    %mul3A_72 = vector.broadcast %cos3A_19 : vector<512x1xf32> to vector<512x8xf32>
    %mul3A_73 = arith.mulf %mul3A_72, %slice3A_64 : vector<512x8xf32>
    %add3A_74 = arith.addf %mul3A_71, %mul3A_73 : vector<512x8xf32>
    %slice3A_75 = vector.extract_strided_slice %get3A_55 {offsets = [0, 0], sizes = [1, 32], strides = [1, 1]} : vector<10x32xf32> to vector<1x32xf32>
    %reshape3A = vector.shape_cast %slice3A_75 : vector<1x32xf32> to vector<1x1x32xf32>
    %slice3A_76 = vector.extract_strided_slice %get3A_55 {offsets = [1, 0], sizes = [1, 32], strides = [1, 1]} : vector<10x32xf32> to vector<1x32xf32>
    %reshape3A_77 = vector.shape_cast %slice3A_76 : vector<1x32xf32> to vector<1x1x32xf32>
    %broadcast_in_dim3A_78 = vector.shape_cast %sub3A_69 : vector<512x8xf32> to vector<512x8x1xf32>
    %mul3A_79 = vector.broadcast %broadcast_in_dim3A_78 : vector<512x8x1xf32> to vector<512x8x32xf32>
    %mul3A_80 = vector.broadcast %reshape3A : vector<1x1x32xf32> to vector<512x8x32xf32>
    %mul3A_81 = arith.mulf %mul3A_79, %mul3A_80 : vector<512x8x32xf32>
    %broadcast_in_dim3A_82 = vector.shape_cast %add3A_74 : vector<512x8xf32> to vector<512x8x1xf32>
    %mul3A_83 = vector.broadcast %broadcast_in_dim3A_82 : vector<512x8x1xf32> to vector<512x8x32xf32>
    %mul3A_84 = vector.broadcast %reshape3A_77 : vector<1x1x32xf32> to vector<512x8x32xf32>
    %mul3A_85 = arith.mulf %mul3A_83, %mul3A_84 : vector<512x8x32xf32>
    %add3A_86 = arith.addf %mul3A_81, %mul3A_85 : vector<512x8x32xf32>
    %broadcast_in_dim3A_87 = vector.shape_cast %add3A_62 : vector<512x32xf32> to vector<512x1x32xf32>
    %add3A_88 = vector.broadcast %broadcast_in_dim3A_87 : vector<512x1x32xf32> to vector<512x8x32xf32>
    %add3A_89 = arith.addf %add3A_86, %add3A_88 : vector<512x8x32xf32>
    %reshape3A_90 = vector.shape_cast %add3A_89 : vector<512x8x32xf32> to vector<4096x32xf32>
    %neg3A_91 = arith.constant 0.000000e+00 : f32
    %neg3A_92 = vector.broadcast %neg3A_91 : f32 to vector<4096x32xf32>
    %neg3A_93 = arith.subf %neg3A_92, %reshape3A_90 : vector<4096x32xf32>
    %exp3A = math.exp %neg3A_93 : vector<4096x32xf32>
    %add3A_94 = arith.constant 1.000000e+00 : f32
    %add3A_95 = vector.broadcast %add3A_94 : f32 to vector<4096x32xf32>
    %add3A_96 = arith.addf %add3A_95, %exp3A : vector<4096x32xf32>
    %div3A_97 = arith.constant 1.000000e+00 : f32
    %div3A_98 = vector.broadcast %div3A_97 : f32 to vector<4096x32xf32>
    %div3A_99 = arith.divf %div3A_98, %add3A_96 : vector<4096x32xf32>
    %mul3A_100 = arith.mulf %reshape3A_90, %div3A_99 : vector<4096x32xf32>
    %get3A_101 = arith.constant 0 : index
    %get3A_102 = arith.constant 0 : index
    %get3A_103 = vector.load %arg5[%get3A_101, %get3A_102] : memref<32x32xf32, #tpu.memory_space<vmem>>, vector<32x32xf32>
    %dot_general3A_104 = arith.constant dense<0.000000e+00> : vector<4096x32xf32>
    %dot_general3A_105 = tpu.matmul %mul3A_100, %get3A_103, %dot_general3A_104 {dimension_numbers = #tpu.dot_dimension_numbers<[1], [0], [0], [1], [0, 0, 1, 1], [], []>, transpose_lhs_hint = false} : vector<4096x32xf32>, vector<32x32xf32>, vector<4096x32xf32> -> vector<4096x32xf32>
    %get3A_106 = arith.constant 0 : index
    %get3A_107 = arith.constant 0 : index
    %get3A_108 = vector.load %arg6[%get3A_106, %get3A_107] : memref<1x32xf32, #tpu.memory_space<vmem>>, vector<1x32xf32>
    %add3A_109 = vector.broadcast %get3A_108 : vector<1x32xf32> to vector<4096x32xf32>
    %add3A_110 = arith.addf %dot_general3A_105, %add3A_109 : vector<4096x32xf32>
    %neg3A_111 = arith.constant 0.000000e+00 : f32
    %neg3A_112 = vector.broadcast %neg3A_111 : f32 to vector<4096x32xf32>
    %neg3A_113 = arith.subf %neg3A_112, %add3A_110 : vector<4096x32xf32>
    %exp3A_114 = math.exp %neg3A_113 : vector<4096x32xf32>
    %add3A_115 = arith.constant 1.000000e+00 : f32
    %add3A_116 = vector.broadcast %add3A_115 : f32 to vector<4096x32xf32>
    %add3A_117 = arith.addf %add3A_116, %exp3A_114 : vector<4096x32xf32>
    %div3A_118 = arith.constant 1.000000e+00 : f32
    %div3A_119 = vector.broadcast %div3A_118 : f32 to vector<4096x32xf32>
    %div3A_120 = arith.divf %div3A_119, %add3A_117 : vector<4096x32xf32>
    %mul3A_121 = arith.mulf %add3A_110, %div3A_120 : vector<4096x32xf32>
    %get3A_122 = arith.constant 0 : index
    %get3A_123 = arith.constant 0 : index
    %get3A_124 = vector.load %arg7[%get3A_122, %get3A_123] : memref<32x2xf32, #tpu.memory_space<vmem>>, vector<32x2xf32>
    %dot_general3A_125 = arith.constant dense<0.000000e+00> : vector<4096x2xf32>
    %dot_general3A_126 = tpu.matmul %mul3A_121, %get3A_124, %dot_general3A_125 {dimension_numbers = #tpu.dot_dimension_numbers<[1], [0], [0], [1], [0, 0, 1, 1], [], []>, transpose_lhs_hint = false} : vector<4096x32xf32>, vector<32x2xf32>, vector<4096x2xf32> -> vector<4096x2xf32>
    %get3A_127 = arith.constant 0 : index
    %get3A_128 = arith.constant 0 : index
    %get3A_129 = vector.load %arg8[%get3A_127, %get3A_128] : memref<1x2xf32, #tpu.memory_space<vmem>>, vector<1x2xf32>
    %add3A_130 = vector.broadcast %get3A_129 : vector<1x2xf32> to vector<4096x2xf32>
    %add3A_131 = arith.addf %dot_general3A_126, %add3A_130 : vector<4096x2xf32>
    %swap3A = arith.constant 0 : index
    %swap3A_132 = arith.constant 0 : index
    %swap3A_133 = vector.load %arg9[%swap3A, %swap3A_132] : memref<4096x2xf32, #tpu.memory_space<vmem>>, vector<4096x2xf32>
    tpu.vector_store %arg9[%swap3A, %swap3A_132], %add3A_131 {strides = array<i32>} : memref<4096x2xf32, #tpu.memory_space<vmem>>, vector<4096x2xf32>,
    return
  }
  func.func @transform_0(%arg0: i32) -> (i32, i32) {
    %c0_i32 = arith.constant 0 : i32
    %c0_i32_0 = arith.constant 0 : i32
    return %arg0, %c0_i32 : i32, i32
  }
  func.func @transform_1(%arg0: i32) -> (i32, i32) {
    %c0_i32 = arith.constant 0 : i32
    %c0_i32_0 = arith.constant 0 : i32
    return %arg0, %c0_i32 : i32, i32
  }
  func.func @transform_2(%arg0: i32) -> (i32, i32) {
    %c0_i32 = arith.constant 0 : i32
    %c0_i32_0 = arith.constant 0 : i32
    %c0_i32_1 = arith.constant 0 : i32
    return %c0_i32, %c0_i32_0 : i32, i32
  }
  func.func @transform_3(%arg0: i32) -> (i32, i32) {
    %c0_i32 = arith.constant 0 : i32
    %c0_i32_0 = arith.constant 0 : i32
    %c0_i32_1 = arith.constant 0 : i32
    return %c0_i32, %c0_i32_0 : i32, i32
  }
  func.func @transform_4(%arg0: i32) -> (i32, i32) {
    %c0_i32 = arith.constant 0 : i32
    %c0_i32_0 = arith.constant 0 : i32
    %c0_i32_1 = arith.constant 0 : i32
    return %c0_i32, %c0_i32_0 : i32, i32
  }
  func.func @transform_5(%arg0: i32) -> (i32, i32) {
    %c0_i32 = arith.constant 0 : i32
    %c0_i32_0 = arith.constant 0 : i32
    %c0_i32_1 = arith.constant 0 : i32
    return %c0_i32, %c0_i32_0 : i32, i32
  }
  func.func @transform_6(%arg0: i32) -> (i32, i32) {
    %c0_i32 = arith.constant 0 : i32
    %c0_i32_0 = arith.constant 0 : i32
    %c0_i32_1 = arith.constant 0 : i32
    return %c0_i32, %c0_i32_0 : i32, i32
  }
  func.func @transform_7(%arg0: i32) -> (i32, i32) {
    %c0_i32 = arith.constant 0 : i32
    %c0_i32_0 = arith.constant 0 : i32
    %c0_i32_1 = arith.constant 0 : i32
    return %c0_i32, %c0_i32_0 : i32, i32
  }
  func.func @transform_8(%arg0: i32) -> (i32, i32) {
    %c0_i32 = arith.constant 0 : i32
    %c0_i32_0 = arith.constant 0 : i32
    return %arg0, %c0_i32 : i32, i32
  }
}

module attributes {stable_mosaic.version = 14 : i64} {
  func.func @_add_body(%arg0: i32, %arg1: memref<1000x16xf32, #tpu.memory_space<vmem>>, %arg2: memref<1000x16xf32, #tpu.memory_space<vmem>>, %arg3: memref<1000x16xf32, #tpu.memory_space<vmem>>) attributes {dimension_semantics = [#tpu.dimension_semantics<arbitrary>], iteration_bounds = array<i64: 100>, scalar_prefetch = 0 : i64, scratch_operands = 0 : i64, tpu.core_type = #tpu.core_type<tc>, window_params = [{transform_indices = @transform_0, window_bounds = array<i64: 1000, 16>}, {transform_indices = @transform_1, window_bounds = array<i64: 1000, 16>}, {transform_indices = @transform_2, window_bounds = array<i64: 1000, 16>}]} {
    %get3A = arith.constant 0 : index
    %get3A_0 = arith.constant 0 : index
    %get3A_1 = vector.load %arg1[%get3A, %get3A_0] : memref<1000x16xf32, #tpu.memory_space<vmem>>, vector<1000x16xf32>
    %get3A_2 = arith.constant 0 : index
    %get3A_3 = arith.constant 0 : index
    %get3A_4 = vector.load %arg2[%get3A_2, %get3A_3] : memref<1000x16xf32, #tpu.memory_space<vmem>>, vector<1000x16xf32>
    %add3A = arith.addf %get3A_1, %get3A_4 : vector<1000x16xf32>
    %swap3A = arith.constant 0 : index
    %swap3A_5 = arith.constant 0 : index
    %swap3A_6 = vector.load %arg3[%swap3A, %swap3A_5] : memref<1000x16xf32, #tpu.memory_space<vmem>>, vector<1000x16xf32>
    tpu.vector_store %arg3[%swap3A, %swap3A_5], %add3A {strides = array<i32>} : memref<1000x16xf32, #tpu.memory_space<vmem>>, vector<1000x16xf32>,
    return
  }
  func.func @transform_0(%arg0: i32) -> (i32, i32) {
    %c0_i32 = arith.constant 0 : i32
    %c0_i32_0 = arith.constant 0 : i32
    return %arg0, %c0_i32 : i32, i32
  }
  func.func @transform_1(%arg0: i32) -> (i32, i32) {
    %add3A = arith.constant 100 : i32
    %add3A_0 = arith.addi %arg0, %add3A : i32
    %c0_i32 = arith.constant 0 : i32
    %c0_i32_1 = arith.constant 0 : i32
    return %add3A_0, %c0_i32 : i32, i32
  }
  func.func @transform_2(%arg0: i32) -> (i32, i32) {
    %c0_i32 = arith.constant 0 : i32
    %c0_i32_0 = arith.constant 0 : i32
    return %arg0, %c0_i32 : i32, i32
  }
}

</mosaic_0001>

<sc_bundles>
// kernel: kernel.6.cloned.1.call-start
scs
__scs_entry_jumppad:
0x0: {  	(pc) =	sbr.rel $0x88, $3  }
0x1: {  	(tag) =	ssettag $0x0;
	lr =	simm.s32 $0x1  }
0x2: {  	[smem:$0x3F97] =	sst lr;
	_ =	strace $0xD0000000  }
0x3: {  	_ = 	snop  }
0x4: {  	_ = 	snop  }
0x5: {  	_ = 	snop  }
0x6: {  	_ = 	snop  }
0x7: {  	_ = 	snop  }
__scs_overlays_trampoline_lowered:
0x8: {  	[smem:$0x3FA6] =	sst s0  }
0x9: {  	[smem:$0x3FA7] =	sst s1  }
0xa: {  	[smem:$0x3FA8] =	sst s2  }
0xb: {  	[smem:$0x3FA9] =	sst s3  }
0xc: {  	[smem:$0x3FAA] =	sst s4  }
0xd: {  	[smem:$0x3FAB] =	sst s5  }
0xe: {  	[smem:$0x3FAC] =	sst s6  }
0xf: {  	[smem:$0x3FAD] =	sst s7  }
0x10: {  	[smem:$0x3FAE] =	sst s8  }
0x11: {  	[smem:$0x3FAF] =	sst s9;
	s0 =	simm.s32 @!p0 $0x0  }
0x12: {  	s1 =	sld [smem:$0x3F95];
	s0 =	simm.s32 @p0 $0x1  }
0x13: {  	[smem:$0x3FB0] =	sst s0;
	s0 =	simm.s32 @!p1 $0x0  }
0x14: {  	s2 =	sld [smem:$0x3F94];
	s0 =	simm.s32 @p1 $0x1  }
0x15: {  	[smem:$0x3FB1] =	sst s0;
	s0 =	simm.s32 @!p2 $0x0  }
0x16: {  	s3 =	sld [smem:$0x3FDB];
	s0 =	simm.s32 @p2 $0x1  }
0x17: {  	s4 =	simm.s32 $0x1BF5;
	[smem:$0x3FB3] =	sst s0  }
0x18: {  	s0 =	sld [smem:$0x3F96];
	_ =	swait.ge [sflag:s4], $0x0  }
0x19: {  	s7 =	sld [smem:$0x3F97]  }
0x1a: {  	s8 =	sadd.s32 $0xFFFFE003, lr  }
0x1b: {  	s9 =	sadd.s32 $0xFFFFFEF7, lr;
	s5 =	simm.s32 $0xFFFFFFFF;
	p2 =	slt.u32 s8, $0xFFFFF086  }
0x1c: {  	p1 =	slt.u32 s9, $0xF7A;
	s5 =	simm.s32 @!p2 $0x0  }
0x1d: {  	s5 =	simm.s32 @p1 $0x1;
	p0 =	seq.s32 s7, s2  }
0x1e: {  	s7 =	smul.u32 @!p0 $0xF7A, s2;
	p2 =	seq.s32 @!p0 s5, $0x0  }
0x1f: {  	s9 =	smul.u32 $0xF7A, s1;
	s8 =	simm.s32 @!p0 $0x1BF5;
	p2 =	por !p2, p0  }
0x20: {  	[sflag:s8] =	ssyncset.s32 @!p0 $0xFFFFF086;
	s6 =	sadd.s32 @!p0 s3, s7;
	s7 =	simm.s32 @!p0 $0x108  }
0x21: {  	s3 =	sadd.s32 s3, s9;
	s6 =	sadd.s32 @!p0 $0x88, s6;
	s7 =	simm.s32 @p2 $0x1082  }
0x22: {  	[simem:s7], [sflag:s8] =	dma.local @!p0 [hbm:s6], $0xF7A  }
0x23: {  	s9 =	sor.u32 $0xD0000000, s2;
	s6 =	simm.s32 $0x108;
	_ =	swait.ge @!p0 [sflag:s8], $0x0  }
0x24: {  	s3 =	sadd.s32 $0x88, s3;
	s6 =	simm.s32 @!p1 $0x1082;
	[sflag:s4] =	ssyncset.s32 $0xFFFFF086  }
0x25: {  	[simem:s6], [sflag:s4] =	dma.local [hbm:s3], $0xF7A  }
0x26: {  	[smem:$0x3F97] =	sst s1;
	(tag) =	ssettag s2;
	_ =	strace s9  }
0x27: {  	s1 =	sld [smem:$0x3FA7]  }
0x28: {  	s2 =	sld [smem:$0x3FA8]  }
0x29: {  	s4 =	sld [smem:$0x3FAA]  }
0x2a: {  	p0 =	seq.s32 s5, $0x0;
	s5 =	sld [smem:$0x3FAB]  }
0x2b: {  	s6 =	sld [smem:$0x3FAC]  }
0x2c: {  	s7 =	sld [smem:$0x3FAD]  }
0x2d: {  	s3 =	simm.s32 $0x108;
	s8 =	sld [smem:$0x3FAE]  }
0x2e: {  	s3 =	simm.s32 @!p0 $0x1082;
	s9 =	sld [smem:$0x3FAF]  }
0x2f: {  	lr =	sadd.s32 s0, s3;
	s0 =	sld [smem:$0x3FA6]  }
0x30: {  	s3 =	sld [smem:$0x3FA9]  }
0x31: {  	[smem:$0x3FB2] =	sst s10  }
0x32: {  	s10 =	sld [smem:$0x3FB0];
	_ =	sdelay $0x3  }
0x33: {  	p0 =	seq.s32 s10, $0x1;
	s10 =	sld [smem:$0x3FB2];
	_ =	sdelay $0x3  }
0x34: {  	[smem:$0x3FB2] =	sst s10  }
0x35: {  	s10 =	sld [smem:$0x3FB1];
	_ =	sdelay $0x3  }
0x36: {  	p1 =	seq.s32 s10, $0x1;
	s10 =	sld [smem:$0x3FB2];
	_ =	sdelay $0x3  }
0x37: {  	[smem:$0x3FB2] =	sst s10  }
0x38: {  	s10 =	sld [smem:$0x3FB3]  }
0x39: {  	_ = 	snop;
	(pc) =	sbr.ind lr, $3  }
0x3a: {  	_ = 	snop  }
0x3b: {  	_ = 	snop  }
0x3c: {  	p2 =	seq.s32 s10, $0x1;
	s10 =	sld [smem:$0x3FB2]  }
0x3d: {  	_ =	shalt  }
0x3e: {  	_ =	shalt  }
0x3f: {  	_ =	shalt  }
0x40: {  	_ =	shalt  }
0x41: {  	_ =	shalt  }
0x42: {  	_ =	shalt  }
0x43: {  	_ =	shalt  }
0x44: {  	_ =	shalt  }
0x45: {  	_ =	shalt  }
0x46: {  	_ =	shalt  }
0x47: {  	_ =	shalt  }
0x48: {  	_ =	shalt  }
0x49: {  	_ =	shalt  }
0x4a: {  	_ =	shalt  }
0x4b: {  	_ =	shalt  }
0x4c: {  	_ =	shalt  }
0x4d: {  	_ =	shalt  }
0x4e: {  	_ =	shalt  }
0x4f: {  	_ =	shalt  }
0x50: {  	_ =	shalt  }
0x51: {  	_ =	shalt  }
0x52: {  	_ =	shalt  }
0x53: {  	_ =	shalt  }
0x54: {  	_ =	shalt  }
0x55: {  	_ =	shalt  }
0x56: {  	_ =	shalt  }
0x57: {  	_ =	shalt  }
0x58: {  	_ =	shalt  }
0x59: {  	_ =	shalt  }
0x5a: {  	_ =	shalt  }
0x5b: {  	_ =	shalt  }
0x5c: {  	_ =	shalt  }
0x5d: {  	_ =	shalt  }
0x5e: {  	_ =	shalt  }
0x5f: {  	_ =	shalt  }
0x60: {  	_ =	shalt  }
0x61: {  	_ =	shalt  }
0x62: {  	_ =	shalt  }
0x63: {  	_ =	shalt  }
0x64: {  	_ =	shalt  }
0x65: {  	_ =	shalt  }
0x66: {  	_ =	shalt  }
0x67: {  	_ =	shalt  }
0x68: {  	_ =	shalt  }
0x69: {  	_ =	shalt  }
0x6a: {  	_ =	shalt  }
0x6b: {  	_ =	shalt  }
0x6c: {  	_ =	shalt  }
0x6d: {  	_ =	shalt  }
0x6e: {  	_ =	shalt  }
0x6f: {  	_ =	shalt  }
0x70: {  	_ =	shalt  }
0x71: {  	_ =	shalt  }
0x72: {  	_ =	shalt  }
0x73: {  	_ =	shalt  }
0x74: {  	_ =	shalt  }
0x75: {  	_ =	shalt  }
0x76: {  	_ =	shalt  }
0x77: {  	_ =	shalt  }
0x78: {  	_ =	shalt  }
0x79: {  	_ =	shalt  }
0x7a: {  	_ =	shalt  }
0x7b: {  	_ =	shalt  }
0x7c: {  	_ =	shalt  }
0x7d: {  	_ =	shalt  }
0x7e: {  	_ =	shalt  }
0x7f: {  	_ =	shalt  }
0x80: {  	_ =	shalt  }
0x81: {  	_ =	shalt  }
0x82: {  	_ =	shalt  }
0x83: {  	_ =	shalt  }
0x84: {  	_ =	shalt  }
0x85: {  	_ =	shalt  }
0x86: {  	_ =	shalt  }
0x87: {  	_ =	shalt  }
.Lfunc_end0:
.L_simem_size_0:
called_computation_lowered:
.L_overlay_start_0:
0x88: {  	s2 =	sld [smem:$0x3FD9]  }
0x89: {  	s3 =	sld [smem:$0x3FFE];
	_ =	sdelay $0x1  }
0x8a: {  	s1 =	srdreg.scid  }
0x8b: {  	s0 =	sand.u32 $0x1, s1  }
0x8c: {  	s17 =	sshll.u32 s0, $0xA;
	s2 =	sadd.s32 s3, s2  }
0x8d: {  	s2 =	sadd.s32 s2, s17  }
0x8e: {  	[smem:$0x3FBE] =	sst s2  }
0x8f: {  	_ = 	snop  }
0x90: {  	s2 =	sld [smem:$0x3FD0];
	(tm) =	ssettm $0x1  }
0x91: {  	s18 =	sld [smem:$0x3FFB];
	_ =	sdelay $0x3  }
0x92: {  	_ =	strace s18  }
0x93: {  	s3 =	sld [smem:$0x3FFC];
	_ =	sdelay $0x3  }
0x94: {  	_ =	strace s3  }
0x95: {  	s3 =	sld [smem:$0x3FFD];
	_ =	sdelay $0x3  }
0x96: {  	_ =	strace s3  }
0x97: {  	_ =	strace $0x8FFFFFFF  }
0x98: {  	s19 =	sld [smem:$0x3FDB];
	_ =	sdelay $0x1  }
0x99: {  	s4 =	simm.s32 $_scs_section_size  }
0x9a: {  	s5 =	simm.s32 $_size__tile_overlayer_lowered;
	s6 =	simm.s32 $_tile_overlayer_lowered  }
0x9b: {  	s22 =	simm.s32 $0x1BFF;
	s21 =	sshll.u32 s6, $0x1;
	s3 =	sadd.s32 s4, s19  }
0x9c: {  	s7 =	simm.s32 $0x0;
	s20 =	sshll.u32 s5, $0x1;
	s5 =	sadd.s32 s21, s3  }
0x9d: {  	[timem:s7], [sflag:s22] =	dma.local [hbm:s5], s20  }
0x9e: {  	_ =	swait.ge [sflag:s22], s20  }
0x9f: {  	s4 =	ssub.s32 $0x0, s20;
	[sflag:s22] =	ssyncset.done $0x0  }
0xa0: {  	[sflag:s22] =	ssyncadd.s32 s4;
	_ =	sdelay $0x1  }
0xa1: {  	s23 =	simm.s32 $0x1B8B  }
0xa2: {  	_ =	swait.ge [sflag:s23], $0x1  }
0xa3: {  	[sflag:s23] =	ssyncset.done $0x0  }
0xa4: {  	s25 =	simm.s32 $0x1B8E;
	s24 =	sld [smem:$0x3FFE];
	[sflag:s23] =	ssyncadd.s32 $0xFFFFFFFF  }
0xa5: {  	s26 =	simm.s32 $execute0_lowered;
	[smem:$0x3FD2] =	sst s25  }
0xa6: {  	s5 =	sshll.u32 s26, $0x1;
	_ =	strace $0x80000046;
	[dreg:$0x1] =	wrdreg $0xFFFFFFFF  }
0xa7: {  	s28 =	simm.s32 $_size_execute0_lowered;
	s3 =	sadd.s32 s3, s5;
	[dreg:$0x0] =	wrdreg $0x0  }
0xa8: {  	s5 =	sshll.u32 s28, $0x1;
	[dreg:$0x2] =	wrdreg s3  }
0xa9: {  	[dreg:$0x3] =	wrdreg s5  }
0xaa: {  	[dreg:$0x4] =	wrdreg $0xC0  }
0xab: {  	_ =	task [dreg:s7], $0x5FFFF  }
0xac: {  	[dreg:$0x1] =	wrdreg $0xFFFFFFFF  }
0xad: {  	[dreg:$0x0] =	wrdreg $0x60  }
0xae: {  	[dreg:$0x2] =	wrdreg s24  }
0xaf: {  	[dreg:$0x3] =	wrdreg s2  }
0xb0: {  	[dreg:$0x4] =	wrdreg $0x9  }
0xb1: {  	_ =	task.clear_ibuf [dreg:s7], $0x5FFFF;
	_ =	strace $0x90000046  }
0xb2: {  	s29 =	simm.s32 $0x9;
	_ =	strace $0x80000048  }
0xb3: {  	_ =	swait.ge [sflag:s29], $0x1  }
0xb4: {  	[sflag:s29] =	ssyncadd.s32 $0xFFFFFFFF  }
0xb5: {  	_ =	strace $0x90000048  }
0xb6: {  	_ =	sfence  }
0xb7: {  	s30 =	sld [smem:$0x0];
	_ =	sdelay $0x2  }
0xb8: {  	s31 =	sshll.u32 s1, $0xD;
	s1 =	sshrl.u32 s1, $0x2  }
0xb9: {  	s3 =	sand.u32 $0x4000, s31;
	s1 =	sadd.s32 s1, s30  }
0xba: {  	s0 =	sor.u32 s3, s0;
	s1 =	sshll.u32 s1, $0x11  }
0xbb: {  	s0 =	sor.u32 s1, s0  }
0xbc: {  	s0 =	sadd.s32 $0x8F2B, s0  }
0xbd: {  	[sflag:s0] =	ssyncadd.remote.s32 $0x1  }
0xbe: {  	_ =	sfence.sel $0xFFFF  }
0xbf: {  	[dreg:$0x0] =	wrdreg $0xFFFFFFFF;
	(pc) =	sbr.abs _section_cstart, $3  }
0xc0: {  	[dreg:$0x1] =	wrdreg $0xFFFFFFFF  }
0xc1: {  	_ =	task.clear_ibuf [dreg:s7], $0x2FFFF;
	_ =	strace $0x9FFFFFFF  }
0xc2: {  	(tm) =	ssettm $0x7FFFFFFF  }
0xc3: {  	_ =	shalt  }
tec
execute0_lowered:
.L_overlay_start_1:
0x0: {  	(tag) =	ssettag $0x1  }
0x1: {  	s5 =	rddreg [dreg:$0x0]  }
0x2: {  	s8 =	rddreg [dreg:$0x1]  }
0x3: {  	s0 =	rddreg [dreg:$0x2]  }
0x4: {  	s3 =	srdreg.scid;
	s1 =	stileid.u32;
	s2 =	simm.s32 $0x0  }
0x5: {  	s14 =	simm.s32 $0x1;
	s15 =	simm.s32 $0x2;
	s16 =	simm.s32 $0x0  }
0x6: {  	s6 =	sand.u32 $0x1, s3;
	s7 =	smul.u32 $0x186A0, s1;
	[smem:$0x7FF] =	sst s2  }
0x7: {  	s3 =	sadd.s32 $0x7CC00, s5;
	s4 =	sadd.s32 $0x2A00, s5;
	s9 =	smul.u32 $0xC350, s6  }
0x8: {  	s30 =	smul.u32 $0x493E0, s1;
	_ =	strace $0x80000047;
	s11 =	ssub.s32 $0x2, s6  }
0x9: {  	s6 =	smul.u32 $0x249F0, s6;
	s13 =	sshrl.u32 s11, $0x1;
	s7 =	sadd.s32 s9, s7  }
0xa: {  	s9 =	sadd.s32 s30, s5;
	s31 =	ssub.s32 s11, s13;
	s11 =	simm.s32 $0x3E8  }
0xb: {  	s13 =	simm.s32 $0x2710;
	s10 =	sshrl.u32 s7, $0x3;
	s7 =	sadd.s32 s7, s5  }
0xc: {  	s6 =	sadd.s32 s6, s9;
	s12 =	sadd.s32 s10, s5;
	s5 =	smax.u32 s31, $0x1  }
0xd: {  	s6 =	sadd.s32 $0x21BE00, s6;
	s7 =	sadd.s32 $0x95400, s7;
	s8 =	sadd.s32 s10, s8  }
0xe: {  	s10 =	simm.s32 $0x3;
	s9 =	sadd.s32 $0x4BE00, s12;
	s12 =	simm.s32 $0x7D0  }
.LBB2_1:
0xf: {  	s17 =	sadd.s32 $0x0, s9  }
0x10: {  	[tilespmem:s2], [sflag:$0x3] =	stream.linear.gather [hbm4b:s17+s2], $0x3E8, $0x38;
	[tilespmem:$0x84D0] =	vst v63  }
0x11: {  	_ =	swait.ge [sflag:s10], $0x3E8  }
0x12: {  	[sflag:s10] =	ssyncset.done $0x0  }
0x13: {  	s31 =	sadd.s32 $0x0, s8;
	[sflag:s10] =	ssyncadd.s32 $0xFFFFFC18  }
0x14: {  	[tilespmem:s11], [sflag:$0x3] =	stream.linear.gather [hbm4b:s31+s2], $0x3E8, $0x38;
	[tilespmem:$0x84D0] =	vst v63  }
0x15: {  	_ =	swait.ge [sflag:s10], $0x3E8  }
0x16: {  	[sflag:s10] =	ssyncset.done $0x0  }
0x17: {  	[sflag:s10] =	ssyncadd.s32 $0xFFFFFC18  }
0x18: {  	[tilespmem:s12], [sflag:$0x1] =	stream.indirect.gather [hbm4b:s3+s11], $0x4, s2, s11, $0xb8;
	[tilespmem:$0x84D0] =	vst v63  }
0x19: {  	_ = 	snop  }
0x1a: {  	[tilespmem:s13], [sflag:$0x2] =	stream.indirect.gather [hbm4b:s4+s11], $0x14, s11, s11, $0xb8;
	[tilespmem:$0x84D0] =	vst v63  }
0x1b: {  	_ =	swait.ge [sflag:s14], $0xFA0  }
0x1c: {  	[sflag:s14] =	ssyncset.done $0x0  }
0x1d: {  	[sflag:s14] =	ssyncadd.s32 $0xFFFFF060  }
0x1e: {  	_ =	swait.ge [sflag:s15], $0x4E20  }
0x1f: {  	[sflag:s15] =	ssyncset.done $0x0  }
0x20: {  	[sflag:s15] =	ssyncadd.s32 $0xFFFFB1E0  }
0x21: {  	[hbm4b:s7+s2] =	stream.linear.scatter [tilespmem:s12], [sflag:$0x3], $0x1F40, $0x38;
	[tilespmem:$0x84D0] =	vst v63  }
0x22: {  	_ =	swait.ge [sflag:s10], $0x1F40  }
0x23: {  	[sflag:s10] =	ssyncset.done $0x0  }
0x24: {  	[sflag:s10] =	ssyncadd.s32 $0xFFFFE0C0  }
0x25: {  	[hbm4b:s6+s2] =	stream.linear.scatter [tilespmem:s13], [sflag:$0x3], $0x5DC0, $0x38;
	[tilespmem:$0x84D0] =	vst v63  }
0x26: {  	s19 =	simm.s32 $0x7D;
	s20 =	simm.s32 $0xFA;
	_ =	swait.ge [sflag:s10], $0x5DC0  }
0x27: {  	s18 =	sadd.s32 $0x3E8, s7;
	s17 =	sadd.s32 $0xBB8, s6;
	[sflag:s10] =	ssyncset.done $0x0  }
.LBB2_2:
0x28: {  	s21 =	sadd.s32 s19, s9  }
0x29: {  	[sflag:s10] =	ssyncadd.s32 $0xFFFFA240;
	s22 =	smov.u32 s20;
	s23 =	sadd.s32 $0x7D, s20  }
0x2a: {  	[tilespmem:s2], [sflag:$0x3] =	stream.linear.gather [hbm4b:s21+s2], $0x3E8, $0x38;
	[tilespmem:$0x84D0] =	vst v63  }
0x2b: {  	p0 =	sne.s32 s20, $0x17ED;
	_ =	swait.ge [sflag:s10], $0x3E8  }
0x2c: {  	[sflag:s10] =	ssyncset.done $0x0  }
0x2d: {  	s20 =	sadd.s32 s19, s8;
	s19 =	smov.u32 s22;
	[sflag:s10] =	ssyncadd.s32 $0xFFFFFC18  }
0x2e: {  	[tilespmem:s11], [sflag:$0x3] =	stream.linear.gather [hbm4b:s20+s2], $0x3E8, $0x38;
	[tilespmem:$0x84D0] =	vst v63  }
0x2f: {  	_ =	swait.ge [sflag:s10], $0x3E8  }
0x30: {  	[sflag:s10] =	ssyncset.done $0x0  }
0x31: {  	[sflag:s10] =	ssyncadd.s32 $0xFFFFFC18  }
0x32: {  	[tilespmem:s12], [sflag:$0x1] =	stream.indirect.gather [hbm4b:s3+s11], $0x4, s2, s11, $0xb8;
	[tilespmem:$0x84D0] =	vst v63  }
0x33: {  	_ = 	snop  }
0x34: {  	[tilespmem:s13], [sflag:$0x2] =	stream.indirect.gather [hbm4b:s4+s11], $0x14, s11, s11, $0xb8;
	[tilespmem:$0x84D0] =	vst v63  }
0x35: {  	_ =	swait.ge [sflag:s14], $0xFA0  }
0x36: {  	[sflag:s14] =	ssyncset.done $0x0  }
0x37: {  	[sflag:s14] =	ssyncadd.s32 $0xFFFFF060  }
0x38: {  	_ =	swait.ge [sflag:s15], $0x4E20  }
0x39: {  	[sflag:s15] =	ssyncset.done $0x0  }
0x3a: {  	[sflag:s15] =	ssyncadd.s32 $0xFFFFB1E0  }
0x3b: {  	[hbm4b:s18+s2] =	stream.linear.scatter [tilespmem:s12], [sflag:$0x3], $0x1F40, $0x38;
	[tilespmem:$0x84D0] =	vst v63  }
0x3c: {  	_ =	swait.ge [sflag:s10], $0x1F40  }
.Ltmp0:
0x3d: {  	[sflag:s10] =	ssyncset.done $0x0;
	(pc) =	sbr.rel @p0 .LBB2_2-.Ltmp0, $4  }
0x3e: {  	[sflag:s10] =	ssyncadd.s32 $0xFFFFE0C0  }
0x3f: {  	[hbm4b:s17+s2] =	stream.linear.scatter [tilespmem:s13], [sflag:$0x3], $0x5DC0, $0x38;
	[tilespmem:$0x84D0] =	vst v63  }
0x40: {  	s20 =	smov.u32 s23;
	_ =	swait.ge [sflag:s10], $0x5DC0  }
0x41: {  	s18 =	sadd.s32 $0x3E8, s18;
	s17 =	sadd.s32 $0xBB8, s17;
	[sflag:s10] =	ssyncset.done $0x0  }
0x42: {  	s20 =	sadd.s32 s19, s9;
	[sflag:s10] =	ssyncadd.s32 $0xFFFFA240  }
0x43: {  	[tilespmem:s2], [sflag:$0x3] =	stream.linear.gather [hbm4b:s20+s2], $0x3E8, $0x38;
	[tilespmem:$0x84D0] =	vst v63  }
0x44: {  	_ =	swait.ge [sflag:s10], $0x3E8  }
0x45: {  	[sflag:s10] =	ssyncset.done $0x0  }
0x46: {  	s31 =	sadd.s32 s19, s8;
	[sflag:s10] =	ssyncadd.s32 $0xFFFFFC18  }
0x47: {  	[tilespmem:s11], [sflag:$0x3] =	stream.linear.gather [hbm4b:s31+s2], $0x3E8, $0x38;
	[tilespmem:$0x84D0] =	vst v63  }
0x48: {  	_ =	swait.ge [sflag:s10], $0x3E8  }
0x49: {  	[sflag:s10] =	ssyncset.done $0x0  }
0x4a: {  	[sflag:s10] =	ssyncadd.s32 $0xFFFFFC18  }
0x4b: {  	[tilespmem:s12], [sflag:$0x1] =	stream.indirect.gather [hbm4b:s3+s11], $0x4, s2, s11, $0xb8;
	[tilespmem:$0x84D0] =	vst v63  }
0x4c: {  	_ = 	snop  }
0x4d: {  	[tilespmem:s13], [sflag:$0x2] =	stream.indirect.gather [hbm4b:s4+s11], $0x14, s11, s11, $0xb8;
	[tilespmem:$0x84D0] =	vst v63  }
0x4e: {  	_ =	swait.ge [sflag:s14], $0xFA0  }
0x4f: {  	[sflag:s14] =	ssyncset.done $0x0  }
0x50: {  	[sflag:s14] =	ssyncadd.s32 $0xFFFFF060  }
0x51: {  	_ =	swait.ge [sflag:s15], $0x4E20  }
0x52: {  	[sflag:s15] =	ssyncset.done $0x0  }
0x53: {  	[sflag:s15] =	ssyncadd.s32 $0xFFFFB1E0  }
0x54: {  	[hbm4b:s18+s2] =	stream.linear.scatter [tilespmem:s12], [sflag:$0x3], $0x1F40, $0x38;
	[tilespmem:$0x84D0] =	vst v63  }
0x55: {  	s16 =	sadd.s32 $0x1, s16;
	_ =	swait.ge [sflag:s10], $0x1F40  }
0x56: {  	p0 =	sne.s32 s16, s5;
	[sflag:s10] =	ssyncset.done $0x0  }
.Ltmp1:
0x57: {  	[sflag:s10] =	ssyncadd.s32 $0xFFFFE0C0;
	(pc) =	sbr.rel @p0 .LBB2_1-.Ltmp1, $4  }
0x58: {  	[hbm4b:s17+s2] =	stream.linear.scatter [tilespmem:s13], [sflag:$0x3], $0x5DC0, $0x38;
	[tilespmem:$0x84D0] =	vst v63  }
0x59: {  	_ =	swait.ge [sflag:s10], $0x5DC0  }
0x5a: {  	[sflag:s10] =	ssyncset.done $0x0  }
0x5b: {  	[sflag:s10] =	ssyncadd.s32 $0xFFFFA240  }
0x5c: {  	_ =	sfence.sel $0x180000  }
0x5d: {  	[bflag:$0x0] =	sbarrier.arrive $0xFFFF  }
0x5e: {  	p0 =	sne.s32 s1, $0x0;
	_ =	strace $0x90000047  }
0x5f: {  	s0 =	sadd.s32 @!p0 $0x100000, s0;
	[bflag:$0x2] =	sbarrier.arrive $0xFFFF  }
0x60: {  	[sflag:s0] =	ssyncadd.tile.s32 @!p0 $0x1;
	_ =	shalt  }
.Lfunc_end2:
_tile_overlayer_lowered:
.L_overlay_start_2:
0x61: {  	(tag) =	ssettag $0x2  }
0x62: {  	s0 =	rddreg [dreg:$0x0];
	s2 =	stileid.u32  }
0x63: {  	s1 =	rddreg [dreg:$0x1];
	p0 =	sne.s32 s2, $0x0  }
0x64: {  	s3 =	rddreg [dreg:$0x2];
	[bflag:$0x3] =	sbarrier.arrive $0xFFFF;
	s2 =	simm.s32 @!p0 $0x1C03  }
0x65: {  	[timem:s3], [sflag:s2] =	dma.local @!p0 [hbm:s0], s1  }
0x66: {  	s0 =	simm.s32 @!p0 $0x3  }
0x67: {  	_ =	swait.ge @!p0 [sflag:s0], s1  }
0x68: {  	s1 =	ssub.s32 @!p0 $0x0, s1;
	[sflag:s0] =	ssyncset.done @!p0 $0x0  }
0x69: {  	[sflag:s0] =	ssyncadd.s32 @!p0 s1  }
0x6a: {  	[bflag:$0x3] =	sbarrier.arrive $0xFFFF  }
0x6b: {  	_ =	shalt  }

// kernel: kernel.9.cloned.1.call-start
scs
__scs_entry_jumppad:
0x0: {  	(pc) =	sbr.rel $0x88, $3  }
0x1: {  	(tag) =	ssettag $0x0;
	lr =	simm.s32 $0x1  }
0x2: {  	[smem:$0x3F97] =	sst lr;
	_ =	strace $0xD0000000  }
0x3: {  	_ = 	snop  }
0x4: {  	_ = 	snop  }
0x5: {  	_ = 	snop  }
0x6: {  	_ = 	snop  }
0x7: {  	_ = 	snop  }
__scs_overlays_trampoline_lowered:
0x8: {  	[smem:$0x3FA6] =	sst s0  }
0x9: {  	[smem:$0x3FA7] =	sst s1  }
0xa: {  	[smem:$0x3FA8] =	sst s2  }
0xb: {  	[smem:$0x3FA9] =	sst s3  }
0xc: {  	[smem:$0x3FAA] =	sst s4  }
0xd: {  	[smem:$0x3FAB] =	sst s5  }
0xe: {  	[smem:$0x3FAC] =	sst s6  }
0xf: {  	[smem:$0x3FAD] =	sst s7  }
0x10: {  	[smem:$0x3FAE] =	sst s8  }
0x11: {  	[smem:$0x3FAF] =	sst s9;
	s0 =	simm.s32 @!p0 $0x0  }
0x12: {  	s1 =	sld [smem:$0x3F95];
	s0 =	simm.s32 @p0 $0x1  }
0x13: {  	[smem:$0x3FB0] =	sst s0;
	s0 =	simm.s32 @!p1 $0x0  }
0x14: {  	s2 =	sld [smem:$0x3F94];
	s0 =	simm.s32 @p1 $0x1  }
0x15: {  	[smem:$0x3FB1] =	sst s0;
	s0 =	simm.s32 @!p2 $0x0  }
0x16: {  	s3 =	sld [smem:$0x3FDB];
	s0 =	simm.s32 @p2 $0x1  }
0x17: {  	s4 =	simm.s32 $0x1BF5;
	[smem:$0x3FB3] =	sst s0  }
0x18: {  	s0 =	sld [smem:$0x3F96];
	_ =	swait.ge [sflag:s4], $0x0  }
0x19: {  	s7 =	sld [smem:$0x3F97]  }
0x1a: {  	s8 =	sadd.s32 $0xFFFFE003, lr  }
0x1b: {  	s9 =	sadd.s32 $0xFFFFFEF7, lr;
	s5 =	simm.s32 $0xFFFFFFFF;
	p2 =	slt.u32 s8, $0xFFFFF086  }
0x1c: {  	p1 =	slt.u32 s9, $0xF7A;
	s5 =	simm.s32 @!p2 $0x0  }
0x1d: {  	s5 =	simm.s32 @p1 $0x1;
	p0 =	seq.s32 s7, s2  }
0x1e: {  	s7 =	smul.u32 @!p0 $0xF7A, s2;
	p2 =	seq.s32 @!p0 s5, $0x0  }
0x1f: {  	s9 =	smul.u32 $0xF7A, s1;
	s8 =	simm.s32 @!p0 $0x1BF5;
	p2 =	por !p2, p0  }
0x20: {  	[sflag:s8] =	ssyncset.s32 @!p0 $0xFFFFF086;
	s6 =	sadd.s32 @!p0 s3, s7;
	s7 =	simm.s32 @!p0 $0x108  }
0x21: {  	s3 =	sadd.s32 s3, s9;
	s6 =	sadd.s32 @!p0 $0x88, s6;
	s7 =	simm.s32 @p2 $0x1082  }
0x22: {  	[simem:s7], [sflag:s8] =	dma.local @!p0 [hbm:s6], $0xF7A  }
0x23: {  	s9 =	sor.u32 $0xD0000000, s2;
	s6 =	simm.s32 $0x108;
	_ =	swait.ge @!p0 [sflag:s8], $0x0  }
0x24: {  	s3 =	sadd.s32 $0x88, s3;
	s6 =	simm.s32 @!p1 $0x1082;
	[sflag:s4] =	ssyncset.s32 $0xFFFFF086  }
0x25: {  	[simem:s6], [sflag:s4] =	dma.local [hbm:s3], $0xF7A  }
0x26: {  	[smem:$0x3F97] =	sst s1;
	(tag) =	ssettag s2;
	_ =	strace s9  }
0x27: {  	s1 =	sld [smem:$0x3FA7]  }
0x28: {  	s2 =	sld [smem:$0x3FA8]  }
0x29: {  	s4 =	sld [smem:$0x3FAA]  }
0x2a: {  	p0 =	seq.s32 s5, $0x0;
	s5 =	sld [smem:$0x3FAB]  }
0x2b: {  	s6 =	sld [smem:$0x3FAC]  }
0x2c: {  	s7 =	sld [smem:$0x3FAD]  }
0x2d: {  	s3 =	simm.s32 $0x108;
	s8 =	sld [smem:$0x3FAE]  }
0x2e: {  	s3 =	simm.s32 @!p0 $0x1082;
	s9 =	sld [smem:$0x3FAF]  }
0x2f: {  	lr =	sadd.s32 s0, s3;
	s0 =	sld [smem:$0x3FA6]  }
0x30: {  	s3 =	sld [smem:$0x3FA9]  }
0x31: {  	[smem:$0x3FB2] =	sst s10  }
0x32: {  	s10 =	sld [smem:$0x3FB0];
	_ =	sdelay $0x3  }
0x33: {  	p0 =	seq.s32 s10, $0x1;
	s10 =	sld [smem:$0x3FB2];
	_ =	sdelay $0x3  }
0x34: {  	[smem:$0x3FB2] =	sst s10  }
0x35: {  	s10 =	sld [smem:$0x3FB1];
	_ =	sdelay $0x3  }
0x36: {  	p1 =	seq.s32 s10, $0x1;
	s10 =	sld [smem:$0x3FB2];
	_ =	sdelay $0x3  }
0x37: {  	[smem:$0x3FB2] =	sst s10  }
0x38: {  	s10 =	sld [smem:$0x3FB3]  }
0x39: {  	_ = 	snop;
	(pc) =	sbr.ind lr, $3  }
0x3a: {  	_ = 	snop  }
0x3b: {  	_ = 	snop  }
0x3c: {  	p2 =	seq.s32 s10, $0x1;
	s10 =	sld [smem:$0x3FB2]  }
0x3d: {  	_ =	shalt  }
0x3e: {  	_ =	shalt  }
0x3f: {  	_ =	shalt  }
0x40: {  	_ =	shalt  }
0x41: {  	_ =	shalt  }
0x42: {  	_ =	shalt  }
0x43: {  	_ =	shalt  }
0x44: {  	_ =	shalt  }
0x45: {  	_ =	shalt  }
0x46: {  	_ =	shalt  }
0x47: {  	_ =	shalt  }
0x48: {  	_ =	shalt  }
0x49: {  	_ =	shalt  }
0x4a: {  	_ =	shalt  }
0x4b: {  	_ =	shalt  }
0x4c: {  	_ =	shalt  }
0x4d: {  	_ =	shalt  }
0x4e: {  	_ =	shalt  }
0x4f: {  	_ =	shalt  }
0x50: {  	_ =	shalt  }
0x51: {  	_ =	shalt  }
0x52: {  	_ =	shalt  }
0x53: {  	_ =	shalt  }
0x54: {  	_ =	shalt  }
0x55: {  	_ =	shalt  }
0x56: {  	_ =	shalt  }
0x57: {  	_ =	shalt  }
0x58: {  	_ =	shalt  }
0x59: {  	_ =	shalt  }
0x5a: {  	_ =	shalt  }
0x5b: {  	_ =	shalt  }
0x5c: {  	_ =	shalt  }
0x5d: {  	_ =	shalt  }
0x5e: {  	_ =	shalt  }
0x5f: {  	_ =	shalt  }
0x60: {  	_ =	shalt  }
0x61: {  	_ =	shalt  }
0x62: {  	_ =	shalt  }
0x63: {  	_ =	shalt  }
0x64: {  	_ =	shalt  }
0x65: {  	_ =	shalt  }
0x66: {  	_ =	shalt  }
0x67: {  	_ =	shalt  }
0x68: {  	_ =	shalt  }
0x69: {  	_ =	shalt  }
0x6a: {  	_ =	shalt  }
0x6b: {  	_ =	shalt  }
0x6c: {  	_ =	shalt  }
0x6d: {  	_ =	shalt  }
0x6e: {  	_ =	shalt  }
0x6f: {  	_ =	shalt  }
0x70: {  	_ =	shalt  }
0x71: {  	_ =	shalt  }
0x72: {  	_ =	shalt  }
0x73: {  	_ =	shalt  }
0x74: {  	_ =	shalt  }
0x75: {  	_ =	shalt  }
0x76: {  	_ =	shalt  }
0x77: {  	_ =	shalt  }
0x78: {  	_ =	shalt  }
0x79: {  	_ =	shalt  }
0x7a: {  	_ =	shalt  }
0x7b: {  	_ =	shalt  }
0x7c: {  	_ =	shalt  }
0x7d: {  	_ =	shalt  }
0x7e: {  	_ =	shalt  }
0x7f: {  	_ =	shalt  }
0x80: {  	_ =	shalt  }
0x81: {  	_ =	shalt  }
0x82: {  	_ =	shalt  }
0x83: {  	_ =	shalt  }
0x84: {  	_ =	shalt  }
0x85: {  	_ =	shalt  }
0x86: {  	_ =	shalt  }
0x87: {  	_ =	shalt  }
.Lfunc_end0:
.L_simem_size_0:
called_computation.1_lowered:
.L_overlay_start_0:
0x88: {  	s2 =	sld [smem:$0x3FD9]  }
0x89: {  	s3 =	sld [smem:$0x3FFE];
	_ =	sdelay $0x1  }
0x8a: {  	s1 =	srdreg.scid  }
0x8b: {  	s0 =	sand.u32 $0x1, s1  }
0x8c: {  	s17 =	sshll.u32 s0, $0xA;
	s2 =	sadd.s32 s3, s2  }
0x8d: {  	s2 =	sadd.s32 s2, s17  }
0x8e: {  	[smem:$0x3FBE] =	sst s2  }
0x8f: {  	_ = 	snop  }
0x90: {  	s2 =	sld [smem:$0x3FD0];
	(tm) =	ssettm $0x1  }
0x91: {  	s18 =	sld [smem:$0x3FFB];
	_ =	sdelay $0x3  }
0x92: {  	_ =	strace s18  }
0x93: {  	s3 =	sld [smem:$0x3FFC];
	_ =	sdelay $0x3  }
0x94: {  	_ =	strace s3  }
0x95: {  	s3 =	sld [smem:$0x3FFD];
	_ =	sdelay $0x3  }
0x96: {  	_ =	strace s3  }
0x97: {  	_ =	strace $0x8FFFFFFF  }
0x98: {  	s19 =	sld [smem:$0x3FDB];
	_ =	sdelay $0x1  }
0x99: {  	s4 =	simm.s32 $_scs_section_size  }
0x9a: {  	s5 =	simm.s32 $_size__tile_overlayer_lowered;
	s6 =	simm.s32 $_tile_overlayer_lowered  }
0x9b: {  	s22 =	simm.s32 $0x1BFF;
	s21 =	sshll.u32 s6, $0x1;
	s3 =	sadd.s32 s4, s19  }
0x9c: {  	s7 =	simm.s32 $0x0;
	s20 =	sshll.u32 s5, $0x1;
	s5 =	sadd.s32 s21, s3  }
0x9d: {  	[timem:s7], [sflag:s22] =	dma.local [hbm:s5], s20  }
0x9e: {  	_ =	swait.ge [sflag:s22], s20  }
0x9f: {  	s4 =	ssub.s32 $0x0, s20;
	[sflag:s22] =	ssyncset.done $0x0  }
0xa0: {  	[sflag:s22] =	ssyncadd.s32 s4;
	_ =	sdelay $0x1  }
0xa1: {  	s23 =	simm.s32 $0x1B8B  }
0xa2: {  	_ =	swait.ge [sflag:s23], $0x1  }
0xa3: {  	[sflag:s23] =	ssyncset.done $0x0  }
0xa4: {  	s25 =	simm.s32 $0x1B8E;
	s24 =	sld [smem:$0x3FFE];
	[sflag:s23] =	ssyncadd.s32 $0xFFFFFFFF  }
0xa5: {  	s26 =	simm.s32 $execute0_lowered;
	[smem:$0x3FD2] =	sst s25  }
0xa6: {  	s5 =	sshll.u32 s26, $0x1;
	_ =	strace $0x80000049;
	[dreg:$0x1] =	wrdreg $0xFFFFFFFF  }
0xa7: {  	s28 =	simm.s32 $_size_execute0_lowered;
	s3 =	sadd.s32 s3, s5;
	[dreg:$0x0] =	wrdreg $0x0  }
0xa8: {  	s5 =	sshll.u32 s28, $0x1;
	[dreg:$0x2] =	wrdreg s3  }
0xa9: {  	[dreg:$0x3] =	wrdreg s5  }
0xaa: {  	[dreg:$0x4] =	wrdreg $0xC0  }
0xab: {  	_ =	task [dreg:s7], $0x5FFFF  }
0xac: {  	[dreg:$0x1] =	wrdreg $0xFFFFFFFF  }
0xad: {  	[dreg:$0x0] =	wrdreg $0x60  }
0xae: {  	[dreg:$0x2] =	wrdreg s24  }
0xaf: {  	[dreg:$0x3] =	wrdreg s2  }
0xb0: {  	[dreg:$0x4] =	wrdreg $0x42680  }
0xb1: {  	[dreg:$0x5] =	wrdreg $0x9  }
0xb2: {  	_ =	task.clear_ibuf [dreg:s7], $0x6FFFF;
	_ =	strace $0x90000049  }
0xb3: {  	s29 =	simm.s32 $0x9;
	_ =	strace $0x8000004B  }
0xb4: {  	_ =	swait.ge [sflag:s29], $0x1  }
0xb5: {  	[sflag:s29] =	ssyncadd.s32 $0xFFFFFFFF  }
0xb6: {  	_ =	strace $0x9000004B  }
0xb7: {  	_ =	sfence  }
0xb8: {  	s30 =	sld [smem:$0x0];
	_ =	sdelay $0x2  }
0xb9: {  	s31 =	sshll.u32 s1, $0xD;
	s1 =	sshrl.u32 s1, $0x2  }
0xba: {  	s3 =	sand.u32 $0x4000, s31;
	s1 =	sadd.s32 s1, s30  }
0xbb: {  	s0 =	sor.u32 s3, s0;
	s1 =	sshll.u32 s1, $0x11  }
0xbc: {  	s0 =	sor.u32 s1, s0  }
0xbd: {  	s0 =	sadd.s32 $0x8F2B, s0  }
0xbe: {  	[sflag:s0] =	ssyncadd.remote.s32 $0x1  }
0xbf: {  	_ =	sfence.sel $0xFFFF  }
0xc0: {  	[dreg:$0x0] =	wrdreg $0xFFFFFFFF;
	(pc) =	sbr.abs _section_cstart, $3  }
0xc1: {  	[dreg:$0x1] =	wrdreg $0xFFFFFFFF  }
0xc2: {  	_ =	task.clear_ibuf [dreg:s7], $0x2FFFF;
	_ =	strace $0x9FFFFFFF  }
0xc3: {  	(tm) =	ssettm $0x7FFFFFFF  }
tec
execute0_lowered:
.L_overlay_start_1:
0x0: {  	(tag) =	ssettag $0x1  }
0x1: {  	s5 =	rddreg [dreg:$0x0];
	s0 =	stileid.u32  }
0x2: {  	s1 =	srdreg.scid;
	s6 =	smul.u32 $0x30D40, s0  }
0x3: {  	s2 =	rddreg [dreg:$0x1];
	s8 =	smul.u32 $0x186A0, s0  }
0x4: {  	s3 =	rddreg [dreg:$0x2];
	s4 =	simm.s32 $0x0;
	s10 =	smul.u32 $0x30D4, s0  }
0x5: {  	s7 =	sand.u32 $0x1, s1;
	s1 =	rddreg [dreg:$0x3];
	s24 =	smul.u32 $0x61A80, s0  }
0x6: {  	[smem:$0x7FF] =	sst s4;
	s29 =	sshll.u32 s0, $0x6;
	s9 =	smul.u32 $0xC350, s7  }
0x7: {  	s20 =	smul.u32 $0x30D40, s7;
	_ =	strace $0x8000004A;
	s23 =	ssub.s32 $0x2, s7  }
0x8: {  	s13 =	smul.u32 $0x186A0, s7;
	s11 =	sadd.s32 s6, s5;
	s26 =	sshrl.u32 s23, $0x1  }
0x9: {  	s28 =	sshrl.u32 s24, $0x2;
	s8 =	sadd.s32 s9, s8;
	s22 =	sadd.s32 s10, s20  }
0xa: {  	s30 =	ssub.s32 s23, s26;
	s14 =	sadd.s32 s28, s3;
	s31 =	sadd.s32 s13, s11  }
0xb: {  	s11 =	simm.s32 $0x1;
	s13 =	simm.s32 $0x0;
	s21 =	sshrl.u32 s8, $0x3  }
0xc: {  	s25 =	sadd.s32 s22, s5;
	s7 =	smax.u32 s30, $0x1;
	s8 =	sadd.s32 $0x7CC00, s31  }
0xd: {  	s10 =	sshrl.u32 s14, $0x3;
	s12 =	sadd.s32 s21, s5;
	s5 =	sor.u32 $0x1C01, s29  }
0xe: {  	s6 =	sadd.s32 $0x38A000, s25;
	s9 =	sadd.s32 $0x4BE00, s12;
	s12 =	simm.s32 $0x3E8  }
.LBB2_1:
0xf: {  	[spmem:s10], [sflag:s5] =	dma.local [hbm:s2], $0x30D4  }
0x10: {  	_ =	swait.ge [sflag:s11], $0x30D4  }
0x11: {  	[sflag:s11] =	ssyncset.done $0x0  }
0x12: {  	[sflag:s11] =	ssyncadd.s32 $0xFFFFCF2C  }
0x13: {  	s14 =	sadd.s32 $0x0, s9;
	[bflag:$0x0] =	sbarrier.arrive $0xFFFF  }
0x14: {  	[tilespmem:s4], [sflag:$0x1] =	stream.linear.gather [hbm4b:s14+s4], $0x3E8, $0x38;
	[tilespmem:$0x1C908] =	vst v63  }
0x15: {  	_ =	swait.ge [sflag:s11], $0x3E8  }
0x16: {  	[sflag:s11] =	ssyncset.done $0x0  }
0x17: {  	[sflag:s11] =	ssyncadd.s32 $0xFFFFFC18  }
0x18: {  	[tilespmem:s12], [sflag:$0x1] =	stream.linear.gather [hbm4b:s8+s4], $0x3E80, $0x38;
	[tilespmem:$0x1C908] =	vst v63  }
0x19: {  	_ =	swait.ge [sflag:s11], $0x3E80  }
0x1a: {  	[sflag:s11] =	ssyncset.done $0x0  }
0x1b: {  	[sflag:s11] =	ssyncadd.s32 $0xFFFFC180  }
0x1c: {  	[spmem:s3] =	stream.indirect.scatter.add.f32 [tilespmem:s12], [sflag:$0x1], $0x10, s4, s12, $0xb8;
	[tilespmem:$0x1C908] =	vst v63  }
0x1d: {  	s15 =	simm.s32 $0x7D;
	_ =	swait.ge [sflag:s11], $0x3E80  }
0x1e: {  	s16 =	simm.s32 $0xFA;
	s14 =	sadd.s32 $0x7D0, s8;
	[sflag:s11] =	ssyncset.done $0x0  }
.LBB2_2:
0x1f: {  	s17 =	sadd.s32 s15, s9  }
0x20: {  	[sflag:s11] =	ssyncadd.s32 $0xFFFFC180;
	s15 =	smov.u32 s16;
	s18 =	sadd.s32 $0x7D, s16  }
0x21: {  	[tilespmem:s4], [sflag:$0x1] =	stream.linear.gather [hbm4b:s17+s4], $0x3E8, $0x38;
	[tilespmem:$0x1C908] =	vst v63  }
0x22: {  	p0 =	sne.s32 s16, $0x17ED;
	_ =	swait.ge [sflag:s11], $0x3E8  }
0x23: {  	[sflag:s11] =	ssyncset.done $0x0  }
0x24: {  	[sflag:s11] =	ssyncadd.s32 $0xFFFFFC18  }
0x25: {  	[tilespmem:s12], [sflag:$0x1] =	stream.linear.gather [hbm4b:s14+s4], $0x3E80, $0x38;
	[tilespmem:$0x1C908] =	vst v63  }
0x26: {  	_ =	swait.ge [sflag:s11], $0x3E80  }
.Ltmp0:
0x27: {  	[sflag:s11] =	ssyncset.done $0x0;
	(pc) =	sbr.rel @p0 .LBB2_2-.Ltmp0, $4  }
0x28: {  	[sflag:s11] =	ssyncadd.s32 $0xFFFFC180  }
0x29: {  	[spmem:s3] =	stream.indirect.scatter.add.f32 [tilespmem:s12], [sflag:$0x1], $0x10, s4, s12, $0xb8;
	[tilespmem:$0x1C908] =	vst v63  }
0x2a: {  	_ =	swait.ge [sflag:s11], $0x3E80  }
0x2b: {  	s16 =	smov.u32 s18;
	s14 =	sadd.s32 $0x7D0, s14;
	[sflag:s11] =	ssyncset.done $0x0  }
0x2c: {  	s15 =	sadd.s32 s15, s9;
	[sflag:s11] =	ssyncadd.s32 $0xFFFFC180  }
0x2d: {  	[tilespmem:s4], [sflag:$0x1] =	stream.linear.gather [hbm4b:s15+s4], $0x3E8, $0x38;
	[tilespmem:$0x1C908] =	vst v63  }
0x2e: {  	_ =	swait.ge [sflag:s11], $0x3E8  }
0x2f: {  	[sflag:s11] =	ssyncset.done $0x0  }
0x30: {  	[sflag:s11] =	ssyncadd.s32 $0xFFFFFC18  }
0x31: {  	[tilespmem:s12], [sflag:$0x1] =	stream.linear.gather [hbm4b:s14+s4], $0x3E80, $0x38;
	[tilespmem:$0x1C908] =	vst v63  }
0x32: {  	_ =	swait.ge [sflag:s11], $0x3E80  }
0x33: {  	[sflag:s11] =	ssyncset.done $0x0  }
0x34: {  	[sflag:s11] =	ssyncadd.s32 $0xFFFFC180  }
0x35: {  	[spmem:s3] =	stream.indirect.scatter.add.f32 [tilespmem:s12], [sflag:$0x1], $0x10, s4, s12, $0xb8;
	[tilespmem:$0x1C908] =	vst v63  }
0x36: {  	_ =	swait.ge [sflag:s11], $0x3E80  }
0x37: {  	s13 =	sadd.s32 $0x1, s13;
	[sflag:s11] =	ssyncset.done $0x0  }
0x38: {  	p0 =	sne.s32 s13, s7;
	[sflag:s11] =	ssyncadd.s32 $0xFFFFC180  }
.Ltmp1:
0x39: {  	[bflag:$0x0] =	sbarrier.arrive $0xFFFF;
	(pc) =	sbr.rel @p0 .LBB2_1-.Ltmp1, $4  }
0x3a: {  	[hbm:s6], [sflag:s5] =	dma.local [spmem:s10], $0x30D4  }
0x3b: {  	_ =	swait.ge [sflag:s11], $0x30D4  }
0x3c: {  	[sflag:s11] =	ssyncset.done $0x0  }
0x3d: {  	[sflag:s11] =	ssyncadd.s32 $0xFFFFCF2C  }
0x3e: {  	_ =	sfence.sel $0x180000  }
0x3f: {  	[bflag:$0x0] =	sbarrier.arrive $0xFFFF  }
0x40: {  	p0 =	sne.s32 s0, $0x0;
	_ =	strace $0x9000004A  }
0x41: {  	s0 =	sadd.s32 @!p0 $0x100000, s1;
	[bflag:$0x2] =	sbarrier.arrive $0xFFFF  }
0x42: {  	[sflag:s0] =	ssyncadd.tile.s32 @!p0 $0x1;
	_ =	shalt  }
.Lfunc_end2:
_tile_overlayer_lowered:
.L_overlay_start_2:
0x43: {  	(tag) =	ssettag $0x2  }
0x44: {  	s0 =	rddreg [dreg:$0x0];
	s2 =	stileid.u32  }
0x45: {  	s1 =	rddreg [dreg:$0x1];
	p0 =	sne.s32 s2, $0x0  }
0x46: {  	s3 =	rddreg [dreg:$0x2];
	[bflag:$0x3] =	sbarrier.arrive $0xFFFF;
	s2 =	simm.s32 @!p0 $0x1C01  }
0x47: {  	[timem:s3], [sflag:s2] =	dma.local @!p0 [hbm:s0], s1  }
0x48: {  	s0 =	simm.s32 @!p0 $0x1  }
0x49: {  	_ =	swait.ge @!p0 [sflag:s0], s1  }
0x4a: {  	s1 =	ssub.s32 @!p0 $0x0, s1;
	[sflag:s0] =	ssyncset.done @!p0 $0x0  }
0x4b: {  	[sflag:s0] =	ssyncadd.s32 @!p0 s1  }
0x4c: {  	[bflag:$0x3] =	sbarrier.arrive $0xFFFF  }
0x4d: {  	_ =	shalt  }

</sc_bundles>
